<compile_context>
chip_gen: v7x
topology: tpu7x:2x2x1
jax: 0.10.2.dev20260603
libtpu: 0.0.44.dev20260713+nightly
codegen_flags: <defaults>
</compile_context>

<pallas_src>
import functools

import jax
import jax.numpy as jnp
from jax import lax
from jax.experimental import pallas as pl
from jax.experimental.pallas import tpu as pltpu
from jax.experimental.pallas import tpu_sc as plsc

N_NODES = 10000
N_PAD = 10112
E_EDGES = 160000
E_PAD = 163840
Q_EDGES = 8192
D_IN = 256
D_HID = 256
D_OUT = 48
NC = 2
NS = 16
CHUNK = 128



def _dinv(deg_ref, width):
    degs = deg_ref[0, :N_NODES, :] + deg_ref[1, :N_NODES, :]
    deg = jnp.sum(degs, axis=1, keepdims=True) + 1.0
    return jnp.broadcast_to(lax.rsqrt(deg), (N_NODES, width))


def _tc_a_body(deg_ref, emb_ref, w1_ref, g_ref):
    dinvb = _dinv(deg_ref, 128)
    h = jnp.dot(emb_ref[...], w1_ref[...], preferred_element_type=jnp.float32)
    g_ref[0, :N_NODES, :] = h[:, :128] * dinvb
    g_ref[1, :N_NODES, :] = h[:, 128:] * dinvb
    zpad = jnp.zeros((N_PAD - N_NODES, 128), jnp.float32)
    g_ref[0, N_NODES:, :] = zpad
    g_ref[1, N_NODES:, :] = zpad


def _tc_a(deg_parts, emb, W1):
    return pl.pallas_call(
        _tc_a_body,
        out_shape=jax.ShapeDtypeStruct((NC, N_PAD, 128), jnp.float32),
    )(deg_parts, emb, W1)


def _tc_b_body(s1_ref, deg_ref, b1_ref, w2_ref, g2_ref):
    dinvb = _dinv(deg_ref, 128)
    s = jnp.concatenate([s1_ref[0, :N_NODES, :] * dinvb,
                         s1_ref[1, :N_NODES, :] * dinvb], axis=1)
    x1 = jnp.maximum(s + b1_ref[...][None, :], 0.0)
    h2 = jnp.dot(x1, w2_ref[...], preferred_element_type=jnp.float32)
    g2_ref[:N_NODES, :] = h2 * dinvb[:, :D_OUT]
    g2_ref[N_NODES:, :] = jnp.zeros((N_PAD - N_NODES, D_OUT), jnp.float32)


def _tc_b(s1, deg_parts, b1, W2):
    return pl.pallas_call(
        _tc_b_body,
        out_shape=jax.ShapeDtypeStruct((N_PAD, D_OUT), jnp.float32),
    )(s1, deg_parts, b1, W2)


def _tc_c_body(s2_ref, g2_ref, deg_ref, b2_ref, x_ref):
    s = s2_ref[0, :N_NODES, :] + s2_ref[1, :N_NODES, :] - g2_ref[:N_NODES, :]
    x_ref[...] = s * _dinv(deg_ref, D_OUT) + b2_ref[...][None, :]


def _tc_c(s2, g2, deg_parts, b2):
    return pl.pallas_call(
        _tc_c_body,
        out_shape=jax.ShapeDtypeStruct((N_NODES, D_OUT), jnp.float32),
    )(s2, g2, deg_parts, b2)


def _tc_d_body(xuv_ref, hm_ref, p_ref, r_ref, rt_ref, sn2_ref, out_ref):
    xu = xuv_ref[:Q_EDGES, :]
    xv = xuv_ref[Q_EDGES:, :]
    t2 = jnp.dot(xv * xv, hm_ref[...], preferred_element_type=jnp.float32)
    t3 = jnp.dot(xu * xv, hm_ref[...], preferred_element_type=jnp.float32)
    m = jnp.dot(xu, p_ref[...], preferred_element_type=jnp.float32)
    w = jnp.dot(t2 - 2.0 * t3, r_ref[...], preferred_element_type=jnp.float32)
    delta = w + 2.0 * m - sn2_ref[...]
    e = jnp.exp(jnp.minimum(delta, 60.0))
    ssum = jnp.dot(e, rt_ref[...], preferred_element_type=jnp.float32)
    p0 = 1.0 / (1.0 + ssum)
    out_ref[...] = jnp.sum(p0, axis=1) * (1.0 / 4.0)


def _tc_d(xuv, hm, p, r, rt, sn2):
    return pl.pallas_call(
        _tc_d_body,
        out_shape=jax.ShapeDtypeStruct((Q_EDGES,), jnp.float32),
    )(xuv, hm, p, r, rt, sn2)



_RPT = N_PAD // NS
_HALF_TC = E_PAD // CHUNK // (NC * NS)
_FULL_TC = E_PAD // CHUNK // NS
_G_TC = (2 * Q_EDGES // CHUNK) // (NC * NS)
_C1 = 64
_MP1_TC = E_PAD // _C1 // NS
_SB = 5
_SB_TC = _MP1_TC // _SB


def _sc_mesh():
    return plsc.VectorSubcoreMesh(core_axis_name="c", subcore_axis_name="s")


def _ring_gather_scatter(g_c, src_v, dst_v, acc_sh, bufs, gsems, ssems, n_chunks):
    pltpu.async_copy(g_c.at[src_v.at[0]], bufs[0], gsems[0])
    pltpu.async_copy(g_c.at[src_v.at[1]], bufs[1], gsems[1])

    def group(k, _):
        g = k * 4
        for b in range(4):
            i = g + b
            b2 = (b + 2) % 4
            pltpu.make_async_copy(g_c.at[src_v.at[i]], bufs[b], gsems[b]).wait()
            pltpu.async_copy(bufs[b], acc_sh.at[dst_v.at[i]], ssems[b], add=True)
            if b < 2:
                @pl.when(g > 0)
                def _():
                    pltpu.make_async_copy(
                        bufs[b2], acc_sh.at[dst_v.at[i]], ssems[b2]).wait()

                pltpu.async_copy(g_c.at[src_v.at[i + 2]], bufs[b2], gsems[b2])
            else:
                pltpu.make_async_copy(
                    bufs[b2], acc_sh.at[dst_v.at[i]], ssems[b2]).wait()

                @pl.when(g < n_chunks - 4)
                def _():
                    pltpu.async_copy(g_c.at[src_v.at[i + 2]], bufs[b2],
                                     gsems[b2])
        return 0

    lax.fori_loop(0, n_chunks // 4, group, 0)
    pltpu.make_async_copy(bufs[2], acc_sh.at[dst_v.at[0]], ssems[2]).wait()
    pltpu.make_async_copy(bufs[3], acc_sh.at[dst_v.at[0]], ssems[3]).wait()


def _deg_stage(dst_p, zeros16):
    @functools.partial(
        pl.kernel,
        out_type=jax.ShapeDtypeStruct((NC, N_PAD, 16), jnp.float32),
        mesh=_sc_mesh(),
        compiler_params=pltpu.CompilerParams(use_tc_tiling_on_sc=False),
        scratch_types=[
            pltpu.VMEM((_HALF_TC, CHUNK), jnp.int32),
            pltpu.VMEM((CHUNK, 16), jnp.float32),
            pltpu.VMEM_SHARED((N_PAD, 16), jnp.float32),
        ],
    )
    def deg_kernel(dst_hbm, zeros_hbm, out_hbm, dst_v, ones_v, acc_sh):
        cid = lax.axis_index("c")
        sid = lax.axis_index("s")
        r0 = sid * _RPT
        pltpu.sync_copy(zeros_hbm.at[pl.ds(r0, _RPT)], acc_sh.at[pl.ds(r0, _RPT)])
        e0 = jnp.where(lax.iota(jnp.int32, 16) == 0, 1.0, 0.0).astype(jnp.float32)

        def fill(i, _):
            ones_v[i, :] = e0
            return 0

        lax.fori_loop(0, CHUNK, fill, 0)
        row0 = (cid * NS + sid) * _HALF_TC
        pltpu.sync_copy(dst_hbm.at[pl.ds(row0, _HALF_TC)], dst_v)
        plsc.subcore_barrier()

        def body(j, _):
            pltpu.sync_copy(ones_v, acc_sh.at[dst_v.at[j]], add=True)
            return 0

        lax.fori_loop(0, _HALF_TC, body, 0)
        plsc.subcore_barrier()
        pltpu.sync_copy(acc_sh.at[pl.ds(r0, _RPT)],
                        out_hbm.at[cid].at[pl.ds(r0, _RPT)])

    return deg_kernel(dst_p, zeros16)


def _mp1_stage(g1, src_p, dst_p):
    @functools.partial(
        pl.kernel,
        out_type=jax.ShapeDtypeStruct((NC, N_PAD, 128), jnp.float32),
        mesh=_sc_mesh(),
        scratch_types=[
            pltpu.VMEM((_SB_TC, _C1), jnp.int32),
            pltpu.VMEM((_SB_TC, _C1), jnp.int32),
            pltpu.VMEM((_C1, 128), jnp.float32),
            pltpu.VMEM((_C1, 128), jnp.float32),
            pltpu.VMEM((_C1, 128), jnp.float32),
            pltpu.VMEM((_C1, 128), jnp.float32),
            pltpu.VMEM_SHARED((N_PAD, 128), jnp.float32),
            pltpu.SemaphoreType.DMA,
            pltpu.SemaphoreType.DMA,
            pltpu.SemaphoreType.DMA,
            pltpu.SemaphoreType.DMA,
            pltpu.SemaphoreType.DMA,
            pltpu.SemaphoreType.DMA,
            pltpu.SemaphoreType.DMA,
            pltpu.SemaphoreType.DMA,
        ],
    )
    def mp1_kernel(g_hbm, src_hbm, dst_hbm, out_hbm,
                   src_v, dst_v, b0, b1, b2, b3, acc_sh,
                   g0, g1s, g2s, g3, s0, s1, s2, s3):
        cid = lax.axis_index("c")
        sid = lax.axis_index("s")
        r0 = sid * _RPT
        g_c = g_hbm.at[cid]
        pltpu.sync_copy(g_c.at[pl.ds(r0, _RPT)], acc_sh.at[pl.ds(r0, _RPT)])
        base = sid * _MP1_TC
        plsc.subcore_barrier()

        def sblock(sb, _):
            row0 = base + sb * _SB_TC
            pltpu.sync_copy(src_hbm.at[pl.ds(row0, _SB_TC)], src_v)
            pltpu.sync_copy(dst_hbm.at[pl.ds(row0, _SB_TC)], dst_v)
            _ring_gather_scatter(g_c, src_v, dst_v, acc_sh,
                                 [b0, b1, b2, b3], [g0, g1s, g2s, g3],
                                 [s0, s1, s2, s3], _SB_TC)
            return 0

        lax.fori_loop(0, _SB, sblock, 0)
        plsc.subcore_barrier()
        pltpu.sync_copy(acc_sh.at[pl.ds(r0, _RPT)],
                        out_hbm.at[cid].at[pl.ds(r0, _RPT)])

    return mp1_kernel(g1, src_p, dst_p)


def _mp2_stage(g2, src_p, dst_p):
    @functools.partial(
        pl.kernel,
        out_type=jax.ShapeDtypeStruct((NC, N_PAD, D_OUT), jnp.float32),
        mesh=_sc_mesh(),
        compiler_params=pltpu.CompilerParams(use_tc_tiling_on_sc=False),
        scratch_types=[
            pltpu.VMEM((_HALF_TC, CHUNK), jnp.int32),
            pltpu.VMEM((_HALF_TC, CHUNK), jnp.int32),
            pltpu.VMEM((CHUNK, D_OUT), jnp.float32),
            pltpu.VMEM((CHUNK, D_OUT), jnp.float32),
            pltpu.VMEM((CHUNK, D_OUT), jnp.float32),
            pltpu.VMEM((CHUNK, D_OUT), jnp.float32),
            pltpu.VMEM_SHARED((N_PAD, D_OUT), jnp.float32),
            pltpu.SemaphoreType.DMA,
            pltpu.SemaphoreType.DMA,
            pltpu.SemaphoreType.DMA,
            pltpu.SemaphoreType.DMA,
            pltpu.SemaphoreType.DMA,
            pltpu.SemaphoreType.DMA,
            pltpu.SemaphoreType.DMA,
            pltpu.SemaphoreType.DMA,
        ],
    )
    def mp2_kernel(g_hbm, src_hbm, dst_hbm, out_hbm,
                   src_v, dst_v, b0, b1, b2, b3, acc_sh,
                   g0, g1s, g2s, g3, s0, s1, s2, s3):
        cid = lax.axis_index("c")
        sid = lax.axis_index("s")
        r0 = sid * _RPT
        pltpu.sync_copy(g_hbm.at[pl.ds(r0, _RPT)], acc_sh.at[pl.ds(r0, _RPT)])
        row0 = (cid * NS + sid) * _HALF_TC
        pltpu.sync_copy(src_hbm.at[pl.ds(row0, _HALF_TC)], src_v)
        pltpu.sync_copy(dst_hbm.at[pl.ds(row0, _HALF_TC)], dst_v)
        plsc.subcore_barrier()
        _ring_gather_scatter(g_hbm, src_v, dst_v, acc_sh,
                             [b0, b1, b2, b3], [g0, g1s, g2s, g3],
                             [s0, s1, s2, s3], _HALF_TC)
        plsc.subcore_barrier()
        pltpu.sync_copy(acc_sh.at[pl.ds(r0, _RPT)],
                        out_hbm.at[cid].at[pl.ds(r0, _RPT)])

    return mp2_kernel(g2, src_p, dst_p)


def _gather_stage(x, uv):
    @functools.partial(
        pl.kernel,
        out_type=jax.ShapeDtypeStruct((2 * Q_EDGES, D_OUT), jnp.float32),
        mesh=_sc_mesh(),
        compiler_params=pltpu.CompilerParams(use_tc_tiling_on_sc=False),
        scratch_types=[
            pltpu.VMEM((_G_TC, CHUNK), jnp.int32),
            pltpu.VMEM((CHUNK, D_OUT), jnp.float32),
            pltpu.SemaphoreType.DMA,
        ],
    )
    def gather_kernel(x_hbm, uv_hbm, out_hbm, idx_v, rows_v, sem):
        cid = lax.axis_index("c")
        sid = lax.axis_index("s")
        row0 = (cid * NS + sid) * _G_TC
        pltpu.sync_copy(uv_hbm.at[pl.ds(row0, _G_TC)], idx_v)

        def body(j, _):
            pltpu.async_copy(x_hbm.at[idx_v.at[j]], rows_v, sem).wait()
            pltpu.sync_copy(rows_v, out_hbm.at[pl.ds((row0 + j) * CHUNK, CHUNK)])
            return 0

        lax.fori_loop(0, _G_TC, body, 0)

    return gather_kernel(x, uv)



def kernel(edge_index, edges, emb, W1, b1, W2, b2, sentinels):
    src = edge_index[0].astype(jnp.int32)
    dst = edge_index[1].astype(jnp.int32)
    pad_n = E_PAD - E_EDGES
    pad_idx = (jnp.arange(pad_n, dtype=jnp.int32) % 8) + N_NODES
    src_p = jnp.concatenate([src, pad_idx]).reshape(E_PAD // CHUNK, CHUNK)
    dst_p = jnp.concatenate([dst, pad_idx]).reshape(E_PAD // CHUNK, CHUNK)

    deg_parts = _deg_stage(dst_p, jnp.zeros((N_PAD, 16), jnp.float32))
    g1 = _tc_a(deg_parts, emb, W1)
    s1 = _mp1_stage(g1, src_p.reshape(E_PAD // _C1, _C1),
                    dst_p.reshape(E_PAD // _C1, _C1))
    g2 = _tc_b(s1, deg_parts, b1, W2)
    s2 = _mp2_stage(g2, src_p, dst_p)
    x = _tc_c(s2, g2, deg_parts, b2)

    uv = jnp.concatenate([edges[0], edges[1]]).astype(jnp.int32)
    uv = uv.reshape(2 * Q_EDGES // CHUNK, CHUNK)
    xuv = _gather_stage(x, uv)

    n_heads, n_sent, d_head = sentinels.shape
    sent_t = jnp.transpose(sentinels, (2, 0, 1))
    p_mat = (jnp.eye(n_heads, dtype=jnp.float32)[None, :, :, None]
             * sent_t[:, None, :, :]).reshape(D_OUT, n_heads * n_sent)
    sn2 = jnp.sum(sentinels ** 2, axis=-1).reshape(1, n_heads * n_sent)
    hm = (jnp.arange(D_OUT)[:, None] % n_heads
          == jnp.arange(n_heads)[None, :]).astype(jnp.float32)
    r_mat = (jnp.arange(n_heads)[:, None]
             == jnp.arange(n_heads * n_sent)[None, :] // n_sent
             ).astype(jnp.float32)
    return _tc_d(xuv, hm, p_mat, r_mat, r_mat.T, sn2)

# --- scband reference (transcript-rebuilt; emitter-appended) ---
"""Pipeline reference for scband-mad-gcn-44504451121632 (READ-ONLY COPY).

The authoritative reference and input builder live on the scoring server;
editing this copy changes nothing except your own understanding.
"""

import jax, jax.numpy as jnp
import numpy as np

N = 10000
E = 160000
Q = 8192
EMB_DIM = 64
N_HEADS = 4
HID_DIM = 64
OUT_DIM = 12
N_SENT = 8


def setup_inputs(seed: int = 0) -> dict:
    key = jax.random.key(seed)
    ks = jax.random.split(key, 8)
    edge_index = jax.random.randint(ks[0], (2, E), 0, N)
    edges = jax.random.randint(ks[1], (2, Q), 0, N)
    d_in = EMB_DIM * N_HEADS
    d_hid = HID_DIM * N_HEADS
    d_out = OUT_DIM * N_HEADS
    emb = jax.random.normal(ks[2], (N, d_in), dtype=jnp.float32) * (6.0 / (N + d_in)) ** 0.5
    W1 = jax.random.normal(ks[3], (d_in, d_hid), dtype=jnp.float32) * (2.0 / (d_in + d_hid)) ** 0.5
    b1 = jnp.zeros((d_hid,), dtype=jnp.float32)
    W2 = jax.random.normal(ks[4], (d_hid, d_out), dtype=jnp.float32) * (2.0 / (d_hid + d_out)) ** 0.5
    b2 = jnp.zeros((d_out,), dtype=jnp.float32)
    sentinels = jax.random.normal(ks[5], (N_HEADS, N_SENT, OUT_DIM), dtype=jnp.float32)
    return {"edge_index": edge_index, "edges": edges, "emb": emb, "W1": W1, "b1": b1, "W2": W2, "b2": b2, "sentinels": sentinels}


def _forward(edge_index, edges, emb, W1, b1, W2, b2, sentinels):
    # GCN stack (eval mode: dropout is identity, GCN cache path computes full embeddings)
    src = edge_index[0]
    dst = edge_index[1]
    loop = jnp.arange(N)
    src_a = jnp.concatenate([src, loop])
    dst_a = jnp.concatenate([dst, loop])
    deg = jax.ops.segment_sum(jnp.ones_like(dst_a, dtype=jnp.float32), dst_a, num_segments=N)
    dinv = jax.lax.rsqrt(jnp.maximum(deg, 1.0))
    norm = dinv[src_a] * dinv[dst_a]

    def conv(x, W, b):
        h = x @ W
        m = h[src_a] * norm[:, None]
        return jax.ops.segment_sum(m, dst_a, num_segments=N) + b

    x = jax.nn.relu(conv(emb, W1, b1))
    x = conv(x, W2, b2)
    x = x.reshape(N, OUT_DIM, N_HEADS).transpose(2, 0, 1)  # (H, N, OUT_DIM)

    # MAD-style predictor: per-head distance between endpoints, normalized
    # against distances to learned sentinel reference points, averaged over heads.
    u = edges[0]
    v = edges[1]
    xu = x[:, u, :]  # (H, Q, d)
    xv = x[:, v, :]  # (H, Q, d)
    d_uv = jnp.sum((xu - xv) ** 2, axis=-1)  # (H, Q)
    diff = xu[:, :, None, :] - sentinels[:, None, :, :]  # (H, Q, S, d)
    d_us = jnp.sum(diff ** 2, axis=-1)  # (H, Q, S)
    logits = -jnp.concatenate([d_uv[:, :, None], d_us], axis=-1)  # (H, Q, 1+S)
    p = jax.nn.softmax(logits, axis=-1)[:, :, 0]  # (H, Q)
    return jnp.mean(p, axis=0)  # (Q,) scores in (0, 1)


def reference(edge_index, edges, emb, W1, b1, W2, b2, sentinels):
    return _forward(edge_index, edges, emb, W1, b1, W2, b2, sentinels)

if __name__ == "__main__":
    import jax
    _d = setup_inputs()
    print(jax.jit(kernel)(*tuple(_d.values())))

</pallas_src>

<mosaic_0001>
#map = affine_map<(d0, d1) -> (0, 0)>
#map1 = affine_map<(d0, d1) -> (0, 0, 0)>
module attributes {stable_mosaic.version = 14 : i64} {
  func.func @deg_kernel(%arg0: i32, %arg1: i32, %arg2: memref<1280x128xi32, #tpu.memory_space<hbm>>, %arg3: memref<10112x16xf32, #tpu.memory_space<hbm>>, %arg4: memref<2x10112x16xf32, #tpu.memory_space<hbm>>, %arg5: memref<40x128xi32, #tpu.memory_space<vmem>>, %arg6: memref<128x16xf32, #tpu.memory_space<vmem>>, %arg7: memref<10112x16xf32, #tpu.memory_space<vmem_shared>>) attributes {dimension_semantics = [#tpu.dimension_semantics<core_parallel>, #tpu.dimension_semantics<subcore_parallel>], iteration_bounds = array<i64: 2, 16>, scalar_prefetch = 0 : i64, scratch_operands = 3 : i64, tpu.core_type = #tpu.core_type<sc_vector_subcore>, window_params = [{transform_indices = #map}, {transform_indices = #map}, {transform_indices = #map1}]} {
    %mul3A = arith.constant 632 : i32
    %mul3A_0 = arith.muli %arg1, %mul3A : i32
    "tpu.region"() ({
      %run_scoped3A = tpu.sem_alloc : memref<!tpu.dma_semaphore, #tpu.memory_space<semaphore_mem>>
      %dma_start3A = arith.constant 0 : i32
      %dma_start3A_23 = tpu.memref_slice %arg7[%mul3A_0, %dma_start3A] : memref<10112x16xf32, #tpu.memory_space<vmem_shared>> -> memref<632x16xf32, #tpu.memory_space<vmem_shared>>
      %dma_start3A_24 = arith.constant 0 : i32
      %dma_start3A_25 = tpu.memref_slice %arg3[%mul3A_0, %dma_start3A_24] : memref<10112x16xf32, #tpu.memory_space<hbm>> -> memref<632x16xf32, #tpu.memory_space<hbm>>
      tpu.enqueue_dma source(%dma_start3A_25 : memref<632x16xf32, #tpu.memory_space<hbm>>) target(%dma_start3A_23 : memref<632x16xf32, #tpu.memory_space<vmem_shared>>) target_semaphore(%run_scoped3A : memref<!tpu.dma_semaphore, #tpu.memory_space<semaphore_mem>>)
      %dma_wait3A = arith.constant 0 : i32
      %dma_wait3A_26 = tpu.memref_slice %arg7[%mul3A_0, %dma_wait3A] : memref<10112x16xf32, #tpu.memory_space<vmem_shared>> -> memref<632x16xf32, #tpu.memory_space<vmem_shared>>
      %dma_wait3A_27 = arith.constant 0 : i32
      %dma_wait3A_28 = tpu.memref_slice %arg3[%mul3A_0, %dma_wait3A_27] : memref<10112x16xf32, #tpu.memory_space<hbm>> -> memref<632x16xf32, #tpu.memory_space<hbm>>
      tpu.wait_dma2 semaphore(%run_scoped3A : memref<!tpu.dma_semaphore, #tpu.memory_space<semaphore_mem>>) src(%dma_wait3A_28 : memref<632x16xf32, #tpu.memory_space<hbm>>) dst(%dma_wait3A_26 : memref<632x16xf32, #tpu.memory_space<vmem_shared>>)
      tpu.yield
    }) : () -> ()
    %iota3A = tpu.iota {dimensions = array<i32: 0>} : vector<16xi32>
    %eq3A = arith.constant 0 : i32
    %eq3A_1 = vector.broadcast %eq3A : i32 to vector<16xi32>
    %eq3A_2 = arith.cmpi eq, %iota3A, %eq3A_1 : vector<16xi32>
    %jit3A = arith.constant 1.000000e+00 : f32
    %jit3A_3 = arith.constant 0.000000e+00 : f32
    %broadcast_in_dim3A = vector.broadcast %jit3A : f32 to vector<16xf32>
    %broadcast_in_dim3A_4 = vector.broadcast %jit3A_3 : f32 to vector<16xf32>
    %select_n3A = arith.select %eq3A_2, %broadcast_in_dim3A, %broadcast_in_dim3A_4 : vector<16xi1>, vector<16xf32>
    %scan3A = arith.constant 0 : i32
    %scan3A_5 = arith.constant 0 : i32
    %scan3A_6 = arith.constant 128 : i32
    %scan3A_7 = arith.addi %scan3A_5, %scan3A_6 : i32
    %scan3A_8 = arith.constant 1 : i32
    %scan3A_9 = scf.for %scan3A_23 = %scan3A_5 to %scan3A_7 step %scan3A_8 iter_args(%scan3A_24 = %scan3A) -> (i32)  : i32 {
      %swap3A = arith.index_cast %scan3A_23 : i32 to index
      %swap3A_25 = arith.constant 0 : index
      %swap3A_26 = tpu.vector_load %arg6[%swap3A, %swap3A_25] {strides = array<i32>} : memref<128x16xf32, #tpu.memory_space<vmem>>, vector<1x16xf32>,
      %swap3A_27 = vector.shape_cast %swap3A_26 : vector<1x16xf32> to vector<16xf32>
      %swap3A_28 = vector.shape_cast %select_n3A : vector<16xf32> to vector<1x16xf32>
      tpu.vector_store %arg6[%swap3A, %swap3A_25], %swap3A_28 {strides = array<i32>} : memref<128x16xf32, #tpu.memory_space<vmem>>, vector<1x16xf32>,
      %scan3A_29 = arith.constant 0 : i32
      scf.yield %scan3A_29 : i32
    }
    %scan3A_10 = arith.constant 128 : i32
    %mul3A_11 = arith.constant 16 : i32
    %mul3A_12 = arith.muli %arg0, %mul3A_11 : i32
    %add3A = arith.addi %mul3A_12, %arg1 : i32
    %mul3A_13 = arith.constant 40 : i32
    %mul3A_14 = arith.muli %add3A, %mul3A_13 : i32
    "tpu.region"() ({
      %run_scoped3A = tpu.sem_alloc : memref<!tpu.dma_semaphore, #tpu.memory_space<semaphore_mem>>
      %dma_start3A = arith.constant 0 : i32
      %dma_start3A_23 = tpu.memref_slice %arg2[%mul3A_14, %dma_start3A] : memref<1280x128xi32, #tpu.memory_space<hbm>> -> memref<40x128xi32, #tpu.memory_space<hbm>>
      %dma_start3A_24 = arith.constant 0 : i32
      %dma_start3A_25 = tpu.memref_slice %arg2[%mul3A_14, %dma_start3A_24] : memref<1280x128xi32, #tpu.memory_space<hbm>> -> memref<40x128xi32, #tpu.memory_space<hbm>>
      tpu.enqueue_dma source(%dma_start3A_25 : memref<40x128xi32, #tpu.memory_space<hbm>>) target(%arg5 : memref<40x128xi32, #tpu.memory_space<vmem>>) target_semaphore(%run_scoped3A : memref<!tpu.dma_semaphore, #tpu.memory_space<semaphore_mem>>)
      %dma_wait3A = arith.constant 0 : i32
      %dma_wait3A_26 = tpu.memref_slice %arg2[%mul3A_14, %dma_wait3A] : memref<1280x128xi32, #tpu.memory_space<hbm>> -> memref<40x128xi32, #tpu.memory_space<hbm>>
      %dma_wait3A_27 = arith.constant 0 : i32
      %dma_wait3A_28 = tpu.memref_slice %arg2[%mul3A_14, %dma_wait3A_27] : memref<1280x128xi32, #tpu.memory_space<hbm>> -> memref<40x128xi32, #tpu.memory_space<hbm>>
      tpu.wait_dma2 semaphore(%run_scoped3A : memref<!tpu.dma_semaphore, #tpu.memory_space<semaphore_mem>>) src(%dma_wait3A_28 : memref<40x128xi32, #tpu.memory_space<hbm>>) dst(%arg5 : memref<40x128xi32, #tpu.memory_space<vmem>>)
      tpu.yield
    }) : () -> ()
    %barrier3A = arith.constant 0 : index
    tpu.barrier barrier_id(%barrier3A)
    %scan3A_15 = arith.constant 0 : i32
    %scan3A_16 = arith.constant 0 : i32
    %scan3A_17 = arith.constant 40 : i32
    %scan3A_18 = arith.addi %scan3A_16, %scan3A_17 : i32
    %scan3A_19 = arith.constant 1 : i32
    %scan3A_20 = scf.for %scan3A_23 = %scan3A_16 to %scan3A_18 step %scan3A_19 iter_args(%scan3A_24 = %scan3A_15) -> (i32)  : i32 {
      "tpu.region"() ({
        %run_scoped3A = tpu.sem_alloc : memref<!tpu.dma_semaphore, #tpu.memory_space<semaphore_mem>>
        %dma_start3A = arith.constant 0 : i32
        %dma_start3A_26 = tpu.memref_slice %arg5[%scan3A_23, %dma_start3A] : memref<40x128xi32, #tpu.memory_space<vmem>> -> memref<1x128xi32, #tpu.memory_space<vmem>>
        %dma_start3A_27 = tpu.memref_squeeze %dma_start3A_26 : memref<1x128xi32, #tpu.memory_space<vmem>> -> memref<128xi32, #tpu.memory_space<vmem>>
        %dma_start3A_28 = arith.constant 0 : i32
        %dma_start3A_29 = arith.constant 0 : i32
        %dma_start3A_30 = tpu.memref_slice %arg7[%dma_start3A_28, %dma_start3A_29] : memref<10112x16xf32, #tpu.memory_space<vmem_shared>> -> memref<10112x16xf32, #tpu.memory_space<vmem_shared>>
        tpu.enqueue_indirect_dma source(%arg6 : memref<128x16xf32, #tpu.memory_space<vmem>>) target(%dma_start3A_30 : memref<10112x16xf32, #tpu.memory_space<vmem_shared>>) offsets(%dma_start3A_27 : memref<128xi32, #tpu.memory_space<vmem>>) semaphore(%run_scoped3A : memref<!tpu.dma_semaphore, #tpu.memory_space<semaphore_mem>>) {add = true}
        %dma_wait3A = arith.constant 0 : i32
        %dma_wait3A_31 = tpu.memref_slice %arg5[%scan3A_23, %dma_wait3A] : memref<40x128xi32, #tpu.memory_space<vmem>> -> memref<1x128xi32, #tpu.memory_space<vmem>>
        %dma_wait3A_32 = tpu.memref_squeeze %dma_wait3A_31 : memref<1x128xi32, #tpu.memory_space<vmem>> -> memref<128xi32, #tpu.memory_space<vmem>>
        %dma_wait3A_33 = arith.constant 0 : i32
        %dma_wait3A_34 = arith.constant 0 : i32
        %dma_wait3A_35 = tpu.memref_slice %arg7[%dma_wait3A_33, %dma_wait3A_34] : memref<10112x16xf32, #tpu.memory_space<vmem_shared>> -> memref<10112x16xf32, #tpu.memory_space<vmem_shared>>
        tpu.wait_indirect_dma semaphore(%run_scoped3A : memref<!tpu.dma_semaphore, #tpu.memory_space<semaphore_mem>>) src(%arg6 : memref<128x16xf32, #tpu.memory_space<vmem>>) dst(%dma_wait3A_35 : memref<10112x16xf32, #tpu.memory_space<vmem_shared>>)
        tpu.yield
      }) : () -> ()
      %scan3A_25 = arith.constant 0 : i32
      scf.yield %scan3A_25 : i32
    }
    %scan3A_21 = arith.constant 40 : i32
    %barrier3A_22 = arith.constant 0 : index
    tpu.barrier barrier_id(%barrier3A_22)
    "tpu.region"() ({
      %run_scoped3A = tpu.sem_alloc : memref<!tpu.dma_semaphore, #tpu.memory_space<semaphore_mem>>
      %dma_start3A = arith.constant 0 : i32
      %dma_start3A_23 = arith.constant 0 : i32
      %dma_start3A_24 = tpu.memref_slice %arg4[%arg0, %dma_start3A, %dma_start3A_23] : memref<2x10112x16xf32, #tpu.memory_space<hbm>> -> memref<1x10112x16xf32, #tpu.memory_space<hbm>>
      %dma_start3A_25 = tpu.memref_squeeze %dma_start3A_24 : memref<1x10112x16xf32, #tpu.memory_space<hbm>> -> memref<10112x16xf32, #tpu.memory_space<hbm>>
      %dma_start3A_26 = arith.constant 0 : i32
      %dma_start3A_27 = tpu.memref_slice %dma_start3A_25[%mul3A_0, %dma_start3A_26] : memref<10112x16xf32, #tpu.memory_space<hbm>> -> memref<632x16xf32, #tpu.memory_space<hbm>>
      %dma_start3A_28 = arith.constant 0 : i32
      %dma_start3A_29 = tpu.memref_slice %arg7[%mul3A_0, %dma_start3A_28] : memref<10112x16xf32, #tpu.memory_space<vmem_shared>> -> memref<632x16xf32, #tpu.memory_space<vmem_shared>>
      tpu.enqueue_dma source(%dma_start3A_29 : memref<632x16xf32, #tpu.memory_space<vmem_shared>>) target(%dma_start3A_27 : memref<632x16xf32, #tpu.memory_space<hbm>>) target_semaphore(%run_scoped3A : memref<!tpu.dma_semaphore, #tpu.memory_space<semaphore_mem>>)
      %dma_wait3A = arith.constant 0 : i32
      %dma_wait3A_30 = arith.constant 0 : i32
      %dma_wait3A_31 = tpu.memref_slice %arg4[%arg0, %dma_wait3A, %dma_wait3A_30] : memref<2x10112x16xf32, #tpu.memory_space<hbm>> -> memref<1x10112x16xf32, #tpu.memory_space<hbm>>
      %dma_wait3A_32 = tpu.memref_squeeze %dma_wait3A_31 : memref<1x10112x16xf32, #tpu.memory_space<hbm>> -> memref<10112x16xf32, #tpu.memory_space<hbm>>
      %dma_wait3A_33 = arith.constant 0 : i32
      %dma_wait3A_34 = tpu.memref_slice %dma_wait3A_32[%mul3A_0, %dma_wait3A_33] : memref<10112x16xf32, #tpu.memory_space<hbm>> -> memref<632x16xf32, #tpu.memory_space<hbm>>
      %dma_wait3A_35 = arith.constant 0 : i32
      %dma_wait3A_36 = tpu.memref_slice %arg7[%mul3A_0, %dma_wait3A_35] : memref<10112x16xf32, #tpu.memory_space<vmem_shared>> -> memref<632x16xf32, #tpu.memory_space<vmem_shared>>
      tpu.wait_dma2 semaphore(%run_scoped3A : memref<!tpu.dma_semaphore, #tpu.memory_space<semaphore_mem>>) src(%dma_wait3A_36 : memref<632x16xf32, #tpu.memory_space<vmem_shared>>) dst(%dma_wait3A_34 : memref<632x16xf32, #tpu.memory_space<hbm>>)
      tpu.yield
    }) : () -> ()
    return
  }
}

#map = affine_map<(d0, d1) -> (0, 0, 0)>
#map1 = affine_map<(d0, d1) -> (0, 0)>
module attributes {stable_mosaic.version = 14 : i64} {
  func.func @mp1_kernel(%arg0: i32, %arg1: i32, %arg2: memref<2x10112x128xf32, #tpu.memory_space<hbm>>, %arg3: memref<2560x64xi32, #tpu.memory_space<hbm>>, %arg4: memref<2560x64xi32, #tpu.memory_space<hbm>>, %arg5: memref<2x10112x128xf32, #tpu.memory_space<hbm>>, %arg6: memref<32x64xi32, #tpu.memory_space<vmem>>, %arg7: memref<32x64xi32, #tpu.memory_space<vmem>>, %arg8: memref<64x128xf32, #tpu.memory_space<vmem>>, %arg9: memref<64x128xf32, #tpu.memory_space<vmem>>, %arg10: memref<64x128xf32, #tpu.memory_space<vmem>>, %arg11: memref<64x128xf32, #tpu.memory_space<vmem>>, %arg12: memref<10112x128xf32, #tpu.memory_space<vmem_shared>>, %arg13: memref<!tpu.dma_semaphore, #tpu.memory_space<semaphore_mem>>, %arg14: memref<!tpu.dma_semaphore, #tpu.memory_space<semaphore_mem>>, %arg15: memref<!tpu.dma_semaphore, #tpu.memory_space<semaphore_mem>>, %arg16: memref<!tpu.dma_semaphore, #tpu.memory_space<semaphore_mem>>, %arg17: memref<!tpu.dma_semaphore, #tpu.memory_space<semaphore_mem>>, %arg18: memref<!tpu.dma_semaphore, #tpu.memory_space<semaphore_mem>>, %arg19: memref<!tpu.dma_semaphore, #tpu.memory_space<semaphore_mem>>, %arg20: memref<!tpu.dma_semaphore, #tpu.memory_space<semaphore_mem>>) attributes {dimension_semantics = [#tpu.dimension_semantics<core_parallel>, #tpu.dimension_semantics<subcore_parallel>], iteration_bounds = array<i64: 2, 16>, scalar_prefetch = 0 : i64, scratch_operands = 15 : i64, tpu.core_type = #tpu.core_type<sc_vector_subcore>, window_params = [{transform_indices = #map}, {transform_indices = #map1}, {transform_indices = #map1}, {transform_indices = #map}]} {
    %mul3A = arith.constant 632 : i32
    %mul3A_0 = arith.muli %arg1, %mul3A : i32
    "tpu.region"() ({
      %run_scoped3A = tpu.sem_alloc : memref<!tpu.dma_semaphore, #tpu.memory_space<semaphore_mem>>
      %dma_start3A = arith.constant 0 : i32
      %dma_start3A_10 = tpu.memref_slice %arg12[%mul3A_0, %dma_start3A] : memref<10112x128xf32, #tpu.memory_space<vmem_shared>> -> memref<632x128xf32, #tpu.memory_space<vmem_shared>>
      %dma_start3A_11 = arith.constant 0 : i32
      %dma_start3A_12 = arith.constant 0 : i32
      %dma_start3A_13 = tpu.memref_slice %arg2[%arg0, %dma_start3A_11, %dma_start3A_12] : memref<2x10112x128xf32, #tpu.memory_space<hbm>> -> memref<1x10112x128xf32, #tpu.memory_space<hbm>>
      %dma_start3A_14 = tpu.memref_squeeze %dma_start3A_13 : memref<1x10112x128xf32, #tpu.memory_space<hbm>> -> memref<10112x128xf32, #tpu.memory_space<hbm>>
      %dma_start3A_15 = arith.constant 0 : i32
      %dma_start3A_16 = tpu.memref_slice %dma_start3A_14[%mul3A_0, %dma_start3A_15] : memref<10112x128xf32, #tpu.memory_space<hbm>> -> memref<632x128xf32, #tpu.memory_space<hbm>>
      tpu.enqueue_dma source(%dma_start3A_16 : memref<632x128xf32, #tpu.memory_space<hbm>>) target(%dma_start3A_10 : memref<632x128xf32, #tpu.memory_space<vmem_shared>>) target_semaphore(%run_scoped3A : memref<!tpu.dma_semaphore, #tpu.memory_space<semaphore_mem>>)
      %dma_wait3A = arith.constant 0 : i32
      %dma_wait3A_17 = tpu.memref_slice %arg12[%mul3A_0, %dma_wait3A] : memref<10112x128xf32, #tpu.memory_space<vmem_shared>> -> memref<632x128xf32, #tpu.memory_space<vmem_shared>>
      %dma_wait3A_18 = arith.constant 0 : i32
      %dma_wait3A_19 = arith.constant 0 : i32
      %dma_wait3A_20 = tpu.memref_slice %arg2[%arg0, %dma_wait3A_18, %dma_wait3A_19] : memref<2x10112x128xf32, #tpu.memory_space<hbm>> -> memref<1x10112x128xf32, #tpu.memory_space<hbm>>
      %dma_wait3A_21 = tpu.memref_squeeze %dma_wait3A_20 : memref<1x10112x128xf32, #tpu.memory_space<hbm>> -> memref<10112x128xf32, #tpu.memory_space<hbm>>
      %dma_wait3A_22 = arith.constant 0 : i32
      %dma_wait3A_23 = tpu.memref_slice %dma_wait3A_21[%mul3A_0, %dma_wait3A_22] : memref<10112x128xf32, #tpu.memory_space<hbm>> -> memref<632x128xf32, #tpu.memory_space<hbm>>
      tpu.wait_dma2 semaphore(%run_scoped3A : memref<!tpu.dma_semaphore, #tpu.memory_space<semaphore_mem>>) src(%dma_wait3A_23 : memref<632x128xf32, #tpu.memory_space<hbm>>) dst(%dma_wait3A_17 : memref<632x128xf32, #tpu.memory_space<vmem_shared>>)
      tpu.yield
    }) : () -> ()
    %mul3A_1 = arith.constant 160 : i32
    %mul3A_2 = arith.muli %arg1, %mul3A_1 : i32
    %barrier3A = arith.constant 0 : index
    tpu.barrier barrier_id(%barrier3A)
    %scan3A = arith.constant 0 : i32
    %scan3A_3 = arith.constant 0 : i32
    %scan3A_4 = arith.constant 5 : i32
    %scan3A_5 = arith.addi %scan3A_3, %scan3A_4 : i32
    %scan3A_6 = arith.constant 1 : i32
    %scan3A_7 = scf.for %scan3A_10 = %scan3A_3 to %scan3A_5 step %scan3A_6 iter_args(%scan3A_11 = %scan3A) -> (i32)  : i32 {
      %mul3A_12 = arith.constant 32 : i32
      %mul3A_13 = arith.muli %scan3A_10, %mul3A_12 : i32
      %add3A = arith.addi %mul3A_2, %mul3A_13 : i32
      "tpu.region"() ({
        %run_scoped3A = tpu.sem_alloc : memref<!tpu.dma_semaphore, #tpu.memory_space<semaphore_mem>>
        %dma_start3A_56 = arith.constant 0 : i32
        %dma_start3A_57 = tpu.memref_slice %arg3[%add3A, %dma_start3A_56] : memref<2560x64xi32, #tpu.memory_space<hbm>> -> memref<32x64xi32, #tpu.memory_space<hbm>>
        %dma_start3A_58 = arith.constant 0 : i32
        %dma_start3A_59 = tpu.memref_slice %arg3[%add3A, %dma_start3A_58] : memref<2560x64xi32, #tpu.memory_space<hbm>> -> memref<32x64xi32, #tpu.memory_space<hbm>>
        tpu.enqueue_dma source(%dma_start3A_59 : memref<32x64xi32, #tpu.memory_space<hbm>>) target(%arg6 : memref<32x64xi32, #tpu.memory_space<vmem>>) target_semaphore(%run_scoped3A : memref<!tpu.dma_semaphore, #tpu.memory_space<semaphore_mem>>)
        %dma_wait3A_60 = arith.constant 0 : i32
        %dma_wait3A_61 = tpu.memref_slice %arg3[%add3A, %dma_wait3A_60] : memref<2560x64xi32, #tpu.memory_space<hbm>> -> memref<32x64xi32, #tpu.memory_space<hbm>>
        %dma_wait3A_62 = arith.constant 0 : i32
        %dma_wait3A_63 = tpu.memref_slice %arg3[%add3A, %dma_wait3A_62] : memref<2560x64xi32, #tpu.memory_space<hbm>> -> memref<32x64xi32, #tpu.memory_space<hbm>>
        tpu.wait_dma2 semaphore(%run_scoped3A : memref<!tpu.dma_semaphore, #tpu.memory_space<semaphore_mem>>) src(%dma_wait3A_63 : memref<32x64xi32, #tpu.memory_space<hbm>>) dst(%arg6 : memref<32x64xi32, #tpu.memory_space<vmem>>)
        tpu.yield
      }) : () -> ()
      "tpu.region"() ({
        %run_scoped3A = tpu.sem_alloc : memref<!tpu.dma_semaphore, #tpu.memory_space<semaphore_mem>>
        %dma_start3A_56 = arith.constant 0 : i32
        %dma_start3A_57 = tpu.memref_slice %arg4[%add3A, %dma_start3A_56] : memref<2560x64xi32, #tpu.memory_space<hbm>> -> memref<32x64xi32, #tpu.memory_space<hbm>>
        %dma_start3A_58 = arith.constant 0 : i32
        %dma_start3A_59 = tpu.memref_slice %arg4[%add3A, %dma_start3A_58] : memref<2560x64xi32, #tpu.memory_space<hbm>> -> memref<32x64xi32, #tpu.memory_space<hbm>>
        tpu.enqueue_dma source(%dma_start3A_59 : memref<32x64xi32, #tpu.memory_space<hbm>>) target(%arg7 : memref<32x64xi32, #tpu.memory_space<vmem>>) target_semaphore(%run_scoped3A : memref<!tpu.dma_semaphore, #tpu.memory_space<semaphore_mem>>)
        %dma_wait3A_60 = arith.constant 0 : i32
        %dma_wait3A_61 = tpu.memref_slice %arg4[%add3A, %dma_wait3A_60] : memref<2560x64xi32, #tpu.memory_space<hbm>> -> memref<32x64xi32, #tpu.memory_space<hbm>>
        %dma_wait3A_62 = arith.constant 0 : i32
        %dma_wait3A_63 = tpu.memref_slice %arg4[%add3A, %dma_wait3A_62] : memref<2560x64xi32, #tpu.memory_space<hbm>> -> memref<32x64xi32, #tpu.memory_space<hbm>>
        tpu.wait_dma2 semaphore(%run_scoped3A : memref<!tpu.dma_semaphore, #tpu.memory_space<semaphore_mem>>) src(%dma_wait3A_63 : memref<32x64xi32, #tpu.memory_space<hbm>>) dst(%arg7 : memref<32x64xi32, #tpu.memory_space<vmem>>)
        tpu.yield
      }) : () -> ()
      %dma_start3A = arith.constant 0 : i32
      %dma_start3A_14 = arith.constant 0 : i32
      %dma_start3A_15 = tpu.memref_slice %arg6[%dma_start3A, %dma_start3A_14] : memref<32x64xi32, #tpu.memory_space<vmem>> -> memref<1x64xi32, #tpu.memory_space<vmem>>
      %dma_start3A_16 = tpu.memref_squeeze %dma_start3A_15 : memref<1x64xi32, #tpu.memory_space<vmem>> -> memref<64xi32, #tpu.memory_space<vmem>>
      %dma_start3A_17 = arith.constant 0 : i32
      %dma_start3A_18 = arith.constant 0 : i32
      %dma_start3A_19 = tpu.memref_slice %arg2[%arg0, %dma_start3A_17, %dma_start3A_18] : memref<2x10112x128xf32, #tpu.memory_space<hbm>> -> memref<1x10112x128xf32, #tpu.memory_space<hbm>>
      %dma_start3A_20 = tpu.memref_squeeze %dma_start3A_19 : memref<1x10112x128xf32, #tpu.memory_space<hbm>> -> memref<10112x128xf32, #tpu.memory_space<hbm>>
      %dma_start3A_21 = arith.constant 0 : i32
      %dma_start3A_22 = arith.constant 0 : i32
      %dma_start3A_23 = tpu.memref_slice %dma_start3A_20[%dma_start3A_21, %dma_start3A_22] : memref<10112x128xf32, #tpu.memory_space<hbm>> -> memref<10112x128xf32, #tpu.memory_space<hbm>>
      tpu.enqueue_indirect_dma source(%dma_start3A_23 : memref<10112x128xf32, #tpu.memory_space<hbm>>) target(%arg8 : memref<64x128xf32, #tpu.memory_space<vmem>>) offsets(%dma_start3A_16 : memref<64xi32, #tpu.memory_space<vmem>>) semaphore(%arg13 : memref<!tpu.dma_semaphore, #tpu.memory_space<semaphore_mem>>)
      %dma_start3A_24 = arith.constant 1 : i32
      %dma_start3A_25 = arith.constant 0 : i32
      %dma_start3A_26 = tpu.memref_slice %arg6[%dma_start3A_24, %dma_start3A_25] : memref<32x64xi32, #tpu.memory_space<vmem>> -> memref<1x64xi32, #tpu.memory_space<vmem>>
      %dma_start3A_27 = tpu.memref_squeeze %dma_start3A_26 : memref<1x64xi32, #tpu.memory_space<vmem>> -> memref<64xi32, #tpu.memory_space<vmem>>
      %dma_start3A_28 = arith.constant 0 : i32
      %dma_start3A_29 = arith.constant 0 : i32
      %dma_start3A_30 = tpu.memref_slice %arg2[%arg0, %dma_start3A_28, %dma_start3A_29] : memref<2x10112x128xf32, #tpu.memory_space<hbm>> -> memref<1x10112x128xf32, #tpu.memory_space<hbm>>
      %dma_start3A_31 = tpu.memref_squeeze %dma_start3A_30 : memref<1x10112x128xf32, #tpu.memory_space<hbm>> -> memref<10112x128xf32, #tpu.memory_space<hbm>>
      %dma_start3A_32 = arith.constant 0 : i32
      %dma_start3A_33 = arith.constant 0 : i32
      %dma_start3A_34 = tpu.memref_slice %dma_start3A_31[%dma_start3A_32, %dma_start3A_33] : memref<10112x128xf32, #tpu.memory_space<hbm>> -> memref<10112x128xf32, #tpu.memory_space<hbm>>
      tpu.enqueue_indirect_dma source(%dma_start3A_34 : memref<10112x128xf32, #tpu.memory_space<hbm>>) target(%arg9 : memref<64x128xf32, #tpu.memory_space<vmem>>) offsets(%dma_start3A_27 : memref<64xi32, #tpu.memory_space<vmem>>) semaphore(%arg14 : memref<!tpu.dma_semaphore, #tpu.memory_space<semaphore_mem>>)
      %scan3A_35 = arith.constant 0 : i32
      %scan3A_36 = arith.constant 0 : i32
      %scan3A_37 = arith.constant 8 : i32
      %scan3A_38 = arith.addi %scan3A_36, %scan3A_37 : i32
      %scan3A_39 = arith.constant 1 : i32
      %scan3A_40 = scf.for %scan3A_56 = %scan3A_36 to %scan3A_38 step %scan3A_39 iter_args(%scan3A_57 = %scan3A_35) -> (i32)  : i32 {
        %mul3A_58 = arith.constant 4 : i32
        %mul3A_59 = arith.muli %scan3A_56, %mul3A_58 : i32
        %add3A_60 = arith.constant 0 : i32
        %add3A_61 = arith.addi %mul3A_59, %add3A_60 : i32
        %dma_wait3A_62 = arith.constant 0 : i32
        %dma_wait3A_63 = tpu.memref_slice %arg6[%add3A_61, %dma_wait3A_62] : memref<32x64xi32, #tpu.memory_space<vmem>> -> memref<1x64xi32, #tpu.memory_space<vmem>>
        %dma_wait3A_64 = tpu.memref_squeeze %dma_wait3A_63 : memref<1x64xi32, #tpu.memory_space<vmem>> -> memref<64xi32, #tpu.memory_space<vmem>>
        %dma_wait3A_65 = arith.constant 0 : i32
        %dma_wait3A_66 = arith.constant 0 : i32
        %dma_wait3A_67 = tpu.memref_slice %arg2[%arg0, %dma_wait3A_65, %dma_wait3A_66] : memref<2x10112x128xf32, #tpu.memory_space<hbm>> -> memref<1x10112x128xf32, #tpu.memory_space<hbm>>
        %dma_wait3A_68 = tpu.memref_squeeze %dma_wait3A_67 : memref<1x10112x128xf32, #tpu.memory_space<hbm>> -> memref<10112x128xf32, #tpu.memory_space<hbm>>
        %dma_wait3A_69 = arith.constant 0 : i32
        %dma_wait3A_70 = arith.constant 0 : i32
        %dma_wait3A_71 = tpu.memref_slice %dma_wait3A_68[%dma_wait3A_69, %dma_wait3A_70] : memref<10112x128xf32, #tpu.memory_space<hbm>> -> memref<10112x128xf32, #tpu.memory_space<hbm>>
        tpu.wait_indirect_dma semaphore(%arg13 : memref<!tpu.dma_semaphore, #tpu.memory_space<semaphore_mem>>) src(%dma_wait3A_71 : memref<10112x128xf32, #tpu.memory_space<hbm>>) dst(%arg8 : memref<64x128xf32, #tpu.memory_space<vmem>>)
        %dma_start3A_72 = arith.constant 0 : i32
        %dma_start3A_73 = tpu.memref_slice %arg7[%add3A_61, %dma_start3A_72] : memref<32x64xi32, #tpu.memory_space<vmem>> -> memref<1x64xi32, #tpu.memory_space<vmem>>
        %dma_start3A_74 = tpu.memref_squeeze %dma_start3A_73 : memref<1x64xi32, #tpu.memory_space<vmem>> -> memref<64xi32, #tpu.memory_space<vmem>>
        %dma_start3A_75 = arith.constant 0 : i32
        %dma_start3A_76 = arith.constant 0 : i32
        %dma_start3A_77 = tpu.memref_slice %arg12[%dma_start3A_75, %dma_start3A_76] : memref<10112x128xf32, #tpu.memory_space<vmem_shared>> -> memref<10112x128xf32, #tpu.memory_space<vmem_shared>>
        tpu.enqueue_indirect_dma source(%arg8 : memref<64x128xf32, #tpu.memory_space<vmem>>) target(%dma_start3A_77 : memref<10112x128xf32, #tpu.memory_space<vmem_shared>>) offsets(%dma_start3A_74 : memref<64xi32, #tpu.memory_space<vmem>>) semaphore(%arg17 : memref<!tpu.dma_semaphore, #tpu.memory_space<semaphore_mem>>) {add = true}
        %gt3A = arith.constant 0 : i32
        %gt3A_78 = arith.cmpi sgt, %mul3A_59, %gt3A : i32
        %convert_element_type3A = arith.extui %gt3A_78 : i1 to i32
        %cond3A = arith.constant 0 : i32
        %cond3A_79 = arith.cmpi ne, %convert_element_type3A, %cond3A : i32
        scf.if %cond3A_79 {
          %dma_wait3A_185 = arith.constant 0 : i32
          %dma_wait3A_186 = tpu.memref_slice %arg7[%add3A_61, %dma_wait3A_185] : memref<32x64xi32, #tpu.memory_space<vmem>> -> memref<1x64xi32, #tpu.memory_space<vmem>>
          %dma_wait3A_187 = tpu.memref_squeeze %dma_wait3A_186 : memref<1x64xi32, #tpu.memory_space<vmem>> -> memref<64xi32, #tpu.memory_space<vmem>>
          %dma_wait3A_188 = arith.constant 0 : i32
          %dma_wait3A_189 = arith.constant 0 : i32
          %dma_wait3A_190 = tpu.memref_slice %arg12[%dma_wait3A_188, %dma_wait3A_189] : memref<10112x128xf32, #tpu.memory_space<vmem_shared>> -> memref<10112x128xf32, #tpu.memory_space<vmem_shared>>
          tpu.wait_indirect_dma semaphore(%arg19 : memref<!tpu.dma_semaphore, #tpu.memory_space<semaphore_mem>>) src(%arg10 : memref<64x128xf32, #tpu.memory_space<vmem>>) dst(%dma_wait3A_190 : memref<10112x128xf32, #tpu.memory_space<vmem_shared>>)
        } else {
        }
        %add3A_80 = arith.constant 2 : i32
        %add3A_81 = arith.addi %add3A_61, %add3A_80 : i32
        %dma_start3A_82 = arith.constant 0 : i32
        %dma_start3A_83 = tpu.memref_slice %arg6[%add3A_81, %dma_start3A_82] : memref<32x64xi32, #tpu.memory_space<vmem>> -> memref<1x64xi32, #tpu.memory_space<vmem>>
        %dma_start3A_84 = tpu.memref_squeeze %dma_start3A_83 : memref<1x64xi32, #tpu.memory_space<vmem>> -> memref<64xi32, #tpu.memory_space<vmem>>
        %dma_start3A_85 = arith.constant 0 : i32
        %dma_start3A_86 = arith.constant 0 : i32
        %dma_start3A_87 = tpu.memref_slice %arg2[%arg0, %dma_start3A_85, %dma_start3A_86] : memref<2x10112x128xf32, #tpu.memory_space<hbm>> -> memref<1x10112x128xf32, #tpu.memory_space<hbm>>
        %dma_start3A_88 = tpu.memref_squeeze %dma_start3A_87 : memref<1x10112x128xf32, #tpu.memory_space<hbm>> -> memref<10112x128xf32, #tpu.memory_space<hbm>>
        %dma_start3A_89 = arith.constant 0 : i32
        %dma_start3A_90 = arith.constant 0 : i32
        %dma_start3A_91 = tpu.memref_slice %dma_start3A_88[%dma_start3A_89, %dma_start3A_90] : memref<10112x128xf32, #tpu.memory_space<hbm>> -> memref<10112x128xf32, #tpu.memory_space<hbm>>
        tpu.enqueue_indirect_dma source(%dma_start3A_91 : memref<10112x128xf32, #tpu.memory_space<hbm>>) target(%arg10 : memref<64x128xf32, #tpu.memory_space<vmem>>) offsets(%dma_start3A_84 : memref<64xi32, #tpu.memory_space<vmem>>) semaphore(%arg15 : memref<!tpu.dma_semaphore, #tpu.memory_space<semaphore_mem>>)
        %add3A_92 = arith.constant 1 : i32
        %add3A_93 = arith.addi %mul3A_59, %add3A_92 : i32
        %dma_wait3A_94 = arith.constant 0 : i32
        %dma_wait3A_95 = tpu.memref_slice %arg6[%add3A_93, %dma_wait3A_94] : memref<32x64xi32, #tpu.memory_space<vmem>> -> memref<1x64xi32, #tpu.memory_space<vmem>>
        %dma_wait3A_96 = tpu.memref_squeeze %dma_wait3A_95 : memref<1x64xi32, #tpu.memory_space<vmem>> -> memref<64xi32, #tpu.memory_space<vmem>>
        %dma_wait3A_97 = arith.constant 0 : i32
        %dma_wait3A_98 = arith.constant 0 : i32
        %dma_wait3A_99 = tpu.memref_slice %arg2[%arg0, %dma_wait3A_97, %dma_wait3A_98] : memref<2x10112x128xf32, #tpu.memory_space<hbm>> -> memref<1x10112x128xf32, #tpu.memory_space<hbm>>
        %dma_wait3A_100 = tpu.memref_squeeze %dma_wait3A_99 : memref<1x10112x128xf32, #tpu.memory_space<hbm>> -> memref<10112x128xf32, #tpu.memory_space<hbm>>
        %dma_wait3A_101 = arith.constant 0 : i32
        %dma_wait3A_102 = arith.constant 0 : i32
        %dma_wait3A_103 = tpu.memref_slice %dma_wait3A_100[%dma_wait3A_101, %dma_wait3A_102] : memref<10112x128xf32, #tpu.memory_space<hbm>> -> memref<10112x128xf32, #tpu.memory_space<hbm>>
        tpu.wait_indirect_dma semaphore(%arg14 : memref<!tpu.dma_semaphore, #tpu.memory_space<semaphore_mem>>) src(%dma_wait3A_103 : memref<10112x128xf32, #tpu.memory_space<hbm>>) dst(%arg9 : memref<64x128xf32, #tpu.memory_space<vmem>>)
        %dma_start3A_104 = arith.constant 0 : i32
        %dma_start3A_105 = tpu.memref_slice %arg7[%add3A_93, %dma_start3A_104] : memref<32x64xi32, #tpu.memory_space<vmem>> -> memref<1x64xi32, #tpu.memory_space<vmem>>
        %dma_start3A_106 = tpu.memref_squeeze %dma_start3A_105 : memref<1x64xi32, #tpu.memory_space<vmem>> -> memref<64xi32, #tpu.memory_space<vmem>>
        %dma_start3A_107 = arith.constant 0 : i32
        %dma_start3A_108 = arith.constant 0 : i32
        %dma_start3A_109 = tpu.memref_slice %arg12[%dma_start3A_107, %dma_start3A_108] : memref<10112x128xf32, #tpu.memory_space<vmem_shared>> -> memref<10112x128xf32, #tpu.memory_space<vmem_shared>>
        tpu.enqueue_indirect_dma source(%arg9 : memref<64x128xf32, #tpu.memory_space<vmem>>) target(%dma_start3A_109 : memref<10112x128xf32, #tpu.memory_space<vmem_shared>>) offsets(%dma_start3A_106 : memref<64xi32, #tpu.memory_space<vmem>>) semaphore(%arg18 : memref<!tpu.dma_semaphore, #tpu.memory_space<semaphore_mem>>) {add = true}
        %gt3A_110 = arith.constant 0 : i32
        %gt3A_111 = arith.cmpi sgt, %mul3A_59, %gt3A_110 : i32
        %convert_element_type3A_112 = arith.extui %gt3A_111 : i1 to i32
        %cond3A_113 = arith.constant 0 : i32
        %cond3A_114 = arith.cmpi ne, %convert_element_type3A_112, %cond3A_113 : i32
        scf.if %cond3A_114 {
          %dma_wait3A_185 = arith.constant 0 : i32
          %dma_wait3A_186 = tpu.memref_slice %arg7[%add3A_93, %dma_wait3A_185] : memref<32x64xi32, #tpu.memory_space<vmem>> -> memref<1x64xi32, #tpu.memory_space<vmem>>
          %dma_wait3A_187 = tpu.memref_squeeze %dma_wait3A_186 : memref<1x64xi32, #tpu.memory_space<vmem>> -> memref<64xi32, #tpu.memory_space<vmem>>
          %dma_wait3A_188 = arith.constant 0 : i32
          %dma_wait3A_189 = arith.constant 0 : i32
          %dma_wait3A_190 = tpu.memref_slice %arg12[%dma_wait3A_188, %dma_wait3A_189] : memref<10112x128xf32, #tpu.memory_space<vmem_shared>> -> memref<10112x128xf32, #tpu.memory_space<vmem_shared>>
          tpu.wait_indirect_dma semaphore(%arg20 : memref<!tpu.dma_semaphore, #tpu.memory_space<semaphore_mem>>) src(%arg11 : memref<64x128xf32, #tpu.memory_space<vmem>>) dst(%dma_wait3A_190 : memref<10112x128xf32, #tpu.memory_space<vmem_shared>>)
        } else {
        }
        %add3A_115 = arith.constant 2 : i32
        %add3A_116 = arith.addi %add3A_93, %add3A_115 : i32
        %dma_start3A_117 = arith.constant 0 : i32
        %dma_start3A_118 = tpu.memref_slice %arg6[%add3A_116, %dma_start3A_117] : memref<32x64xi32, #tpu.memory_space<vmem>> -> memref<1x64xi32, #tpu.memory_space<vmem>>
        %dma_start3A_119 = tpu.memref_squeeze %dma_start3A_118 : memref<1x64xi32, #tpu.memory_space<vmem>> -> memref<64xi32, #tpu.memory_space<vmem>>
        %dma_start3A_120 = arith.constant 0 : i32
        %dma_start3A_121 = arith.constant 0 : i32
        %dma_start3A_122 = tpu.memref_slice %arg2[%arg0, %dma_start3A_120, %dma_start3A_121] : memref<2x10112x128xf32, #tpu.memory_space<hbm>> -> memref<1x10112x128xf32, #tpu.memory_space<hbm>>
        %dma_start3A_123 = tpu.memref_squeeze %dma_start3A_122 : memref<1x10112x128xf32, #tpu.memory_space<hbm>> -> memref<10112x128xf32, #tpu.memory_space<hbm>>
        %dma_start3A_124 = arith.constant 0 : i32
        %dma_start3A_125 = arith.constant 0 : i32
        %dma_start3A_126 = tpu.memref_slice %dma_start3A_123[%dma_start3A_124, %dma_start3A_125] : memref<10112x128xf32, #tpu.memory_space<hbm>> -> memref<10112x128xf32, #tpu.memory_space<hbm>>
        tpu.enqueue_indirect_dma source(%dma_start3A_126 : memref<10112x128xf32, #tpu.memory_space<hbm>>) target(%arg11 : memref<64x128xf32, #tpu.memory_space<vmem>>) offsets(%dma_start3A_119 : memref<64xi32, #tpu.memory_space<vmem>>) semaphore(%arg16 : memref<!tpu.dma_semaphore, #tpu.memory_space<semaphore_mem>>)
        %add3A_127 = arith.constant 2 : i32
        %add3A_128 = arith.addi %mul3A_59, %add3A_127 : i32
        %dma_wait3A_129 = arith.constant 0 : i32
        %dma_wait3A_130 = tpu.memref_slice %arg6[%add3A_128, %dma_wait3A_129] : memref<32x64xi32, #tpu.memory_space<vmem>> -> memref<1x64xi32, #tpu.memory_space<vmem>>
        %dma_wait3A_131 = tpu.memref_squeeze %dma_wait3A_130 : memref<1x64xi32, #tpu.memory_space<vmem>> -> memref<64xi32, #tpu.memory_space<vmem>>
        %dma_wait3A_132 = arith.constant 0 : i32
        %dma_wait3A_133 = arith.constant 0 : i32
        %dma_wait3A_134 = tpu.memref_slice %arg2[%arg0, %dma_wait3A_132, %dma_wait3A_133] : memref<2x10112x128xf32, #tpu.memory_space<hbm>> -> memref<1x10112x128xf32, #tpu.memory_space<hbm>>
        %dma_wait3A_135 = tpu.memref_squeeze %dma_wait3A_134 : memref<1x10112x128xf32, #tpu.memory_space<hbm>> -> memref<10112x128xf32, #tpu.memory_space<hbm>>
        %dma_wait3A_136 = arith.constant 0 : i32
        %dma_wait3A_137 = arith.constant 0 : i32
        %dma_wait3A_138 = tpu.memref_slice %dma_wait3A_135[%dma_wait3A_136, %dma_wait3A_137] : memref<10112x128xf32, #tpu.memory_space<hbm>> -> memref<10112x128xf32, #tpu.memory_space<hbm>>
        tpu.wait_indirect_dma semaphore(%arg15 : memref<!tpu.dma_semaphore, #tpu.memory_space<semaphore_mem>>) src(%dma_wait3A_138 : memref<10112x128xf32, #tpu.memory_space<hbm>>) dst(%arg10 : memref<64x128xf32, #tpu.memory_space<vmem>>)
        %dma_start3A_139 = arith.constant 0 : i32
        %dma_start3A_140 = tpu.memref_slice %arg7[%add3A_128, %dma_start3A_139] : memref<32x64xi32, #tpu.memory_space<vmem>> -> memref<1x64xi32, #tpu.memory_space<vmem>>
        %dma_start3A_141 = tpu.memref_squeeze %dma_start3A_140 : memref<1x64xi32, #tpu.memory_space<vmem>> -> memref<64xi32, #tpu.memory_space<vmem>>
        %dma_start3A_142 = arith.constant 0 : i32
        %dma_start3A_143 = arith.constant 0 : i32
        %dma_start3A_144 = tpu.memref_slice %arg12[%dma_start3A_142, %dma_start3A_143] : memref<10112x128xf32, #tpu.memory_space<vmem_shared>> -> memref<10112x128xf32, #tpu.memory_space<vmem_shared>>
        tpu.enqueue_indirect_dma source(%arg10 : memref<64x128xf32, #tpu.memory_space<vmem>>) target(%dma_start3A_144 : memref<10112x128xf32, #tpu.memory_space<vmem_shared>>) offsets(%dma_start3A_141 : memref<64xi32, #tpu.memory_space<vmem>>) semaphore(%arg19 : memref<!tpu.dma_semaphore, #tpu.memory_space<semaphore_mem>>) {add = true}
        %dma_wait3A_145 = arith.constant 0 : i32
        %dma_wait3A_146 = tpu.memref_slice %arg7[%add3A_128, %dma_wait3A_145] : memref<32x64xi32, #tpu.memory_space<vmem>> -> memref<1x64xi32, #tpu.memory_space<vmem>>
        %dma_wait3A_147 = tpu.memref_squeeze %dma_wait3A_146 : memref<1x64xi32, #tpu.memory_space<vmem>> -> memref<64xi32, #tpu.memory_space<vmem>>
        %dma_wait3A_148 = arith.constant 0 : i32
        %dma_wait3A_149 = arith.constant 0 : i32
        %dma_wait3A_150 = tpu.memref_slice %arg12[%dma_wait3A_148, %dma_wait3A_149] : memref<10112x128xf32, #tpu.memory_space<vmem_shared>> -> memref<10112x128xf32, #tpu.memory_space<vmem_shared>>
        tpu.wait_indirect_dma semaphore(%arg17 : memref<!tpu.dma_semaphore, #tpu.memory_space<semaphore_mem>>) src(%arg8 : memref<64x128xf32, #tpu.memory_space<vmem>>) dst(%dma_wait3A_150 : memref<10112x128xf32, #tpu.memory_space<vmem_shared>>)
        %lt3A = arith.constant 28 : i32
        %lt3A_151 = arith.cmpi slt, %mul3A_59, %lt3A : i32
        %convert_element_type3A_152 = arith.extui %lt3A_151 : i1 to i32
        %cond3A_153 = arith.constant 0 : i32
        %cond3A_154 = arith.cmpi ne, %convert_element_type3A_152, %cond3A_153 : i32
        scf.if %cond3A_154 {
          %add3A_185 = arith.constant 2 : i32
          %add3A_186 = arith.addi %add3A_128, %add3A_185 : i32
          %dma_start3A_187 = arith.constant 0 : i32
          %dma_start3A_188 = tpu.memref_slice %arg6[%add3A_186, %dma_start3A_187] : memref<32x64xi32, #tpu.memory_space<vmem>> -> memref<1x64xi32, #tpu.memory_space<vmem>>
          %dma_start3A_189 = tpu.memref_squeeze %dma_start3A_188 : memref<1x64xi32, #tpu.memory_space<vmem>> -> memref<64xi32, #tpu.memory_space<vmem>>
          %dma_start3A_190 = arith.constant 0 : i32
          %dma_start3A_191 = arith.constant 0 : i32
          %dma_start3A_192 = tpu.memref_slice %arg2[%arg0, %dma_start3A_190, %dma_start3A_191] : memref<2x10112x128xf32, #tpu.memory_space<hbm>> -> memref<1x10112x128xf32, #tpu.memory_space<hbm>>
          %dma_start3A_193 = tpu.memref_squeeze %dma_start3A_192 : memref<1x10112x128xf32, #tpu.memory_space<hbm>> -> memref<10112x128xf32, #tpu.memory_space<hbm>>
          %dma_start3A_194 = arith.constant 0 : i32
          %dma_start3A_195 = arith.constant 0 : i32
          %dma_start3A_196 = tpu.memref_slice %dma_start3A_193[%dma_start3A_194, %dma_start3A_195] : memref<10112x128xf32, #tpu.memory_space<hbm>> -> memref<10112x128xf32, #tpu.memory_space<hbm>>
          tpu.enqueue_indirect_dma source(%dma_start3A_196 : memref<10112x128xf32, #tpu.memory_space<hbm>>) target(%arg8 : memref<64x128xf32, #tpu.memory_space<vmem>>) offsets(%dma_start3A_189 : memref<64xi32, #tpu.memory_space<vmem>>) semaphore(%arg13 : memref<!tpu.dma_semaphore, #tpu.memory_space<semaphore_mem>>)
        } else {
        }
        %add3A_155 = arith.constant 3 : i32
        %add3A_156 = arith.addi %mul3A_59, %add3A_155 : i32
        %dma_wait3A_157 = arith.constant 0 : i32
        %dma_wait3A_158 = tpu.memref_slice %arg6[%add3A_156, %dma_wait3A_157] : memref<32x64xi32, #tpu.memory_space<vmem>> -> memref<1x64xi32, #tpu.memory_space<vmem>>
        %dma_wait3A_159 = tpu.memref_squeeze %dma_wait3A_158 : memref<1x64xi32, #tpu.memory_space<vmem>> -> memref<64xi32, #tpu.memory_space<vmem>>
        %dma_wait3A_160 = arith.constant 0 : i32
        %dma_wait3A_161 = arith.constant 0 : i32
        %dma_wait3A_162 = tpu.memref_slice %arg2[%arg0, %dma_wait3A_160, %dma_wait3A_161] : memref<2x10112x128xf32, #tpu.memory_space<hbm>> -> memref<1x10112x128xf32, #tpu.memory_space<hbm>>
        %dma_wait3A_163 = tpu.memref_squeeze %dma_wait3A_162 : memref<1x10112x128xf32, #tpu.memory_space<hbm>> -> memref<10112x128xf32, #tpu.memory_space<hbm>>
        %dma_wait3A_164 = arith.constant 0 : i32
        %dma_wait3A_165 = arith.constant 0 : i32
        %dma_wait3A_166 = tpu.memref_slice %dma_wait3A_163[%dma_wait3A_164, %dma_wait3A_165] : memref<10112x128xf32, #tpu.memory_space<hbm>> -> memref<10112x128xf32, #tpu.memory_space<hbm>>
        tpu.wait_indirect_dma semaphore(%arg16 : memref<!tpu.dma_semaphore, #tpu.memory_space<semaphore_mem>>) src(%dma_wait3A_166 : memref<10112x128xf32, #tpu.memory_space<hbm>>) dst(%arg11 : memref<64x128xf32, #tpu.memory_space<vmem>>)
        %dma_start3A_167 = arith.constant 0 : i32
        %dma_start3A_168 = tpu.memref_slice %arg7[%add3A_156, %dma_start3A_167] : memref<32x64xi32, #tpu.memory_space<vmem>> -> memref<1x64xi32, #tpu.memory_space<vmem>>
        %dma_start3A_169 = tpu.memref_squeeze %dma_start3A_168 : memref<1x64xi32, #tpu.memory_space<vmem>> -> memref<64xi32, #tpu.memory_space<vmem>>
        %dma_start3A_170 = arith.constant 0 : i32
        %dma_start3A_171 = arith.constant 0 : i32
        %dma_start3A_172 = tpu.memref_slice %arg12[%dma_start3A_170, %dma_start3A_171] : memref<10112x128xf32, #tpu.memory_space<vmem_shared>> -> memref<10112x128xf32, #tpu.memory_space<vmem_shared>>
        tpu.enqueue_indirect_dma source(%arg11 : memref<64x128xf32, #tpu.memory_space<vmem>>) target(%dma_start3A_172 : memref<10112x128xf32, #tpu.memory_space<vmem_shared>>) offsets(%dma_start3A_169 : memref<64xi32, #tpu.memory_space<vmem>>) semaphore(%arg20 : memref<!tpu.dma_semaphore, #tpu.memory_space<semaphore_mem>>) {add = true}
        %dma_wait3A_173 = arith.constant 0 : i32
        %dma_wait3A_174 = tpu.memref_slice %arg7[%add3A_156, %dma_wait3A_173] : memref<32x64xi32, #tpu.memory_space<vmem>> -> memref<1x64xi32, #tpu.memory_space<vmem>>
        %dma_wait3A_175 = tpu.memref_squeeze %dma_wait3A_174 : memref<1x64xi32, #tpu.memory_space<vmem>> -> memref<64xi32, #tpu.memory_space<vmem>>
        %dma_wait3A_176 = arith.constant 0 : i32
        %dma_wait3A_177 = arith.constant 0 : i32
        %dma_wait3A_178 = tpu.memref_slice %arg12[%dma_wait3A_176, %dma_wait3A_177] : memref<10112x128xf32, #tpu.memory_space<vmem_shared>> -> memref<10112x128xf32, #tpu.memory_space<vmem_shared>>
        tpu.wait_indirect_dma semaphore(%arg18 : memref<!tpu.dma_semaphore, #tpu.memory_space<semaphore_mem>>) src(%arg9 : memref<64x128xf32, #tpu.memory_space<vmem>>) dst(%dma_wait3A_178 : memref<10112x128xf32, #tpu.memory_space<vmem_shared>>)
        %lt3A_179 = arith.constant 28 : i32
        %lt3A_180 = arith.cmpi slt, %mul3A_59, %lt3A_179 : i32
        %convert_element_type3A_181 = arith.extui %lt3A_180 : i1 to i32
        %cond3A_182 = arith.constant 0 : i32
        %cond3A_183 = arith.cmpi ne, %convert_element_type3A_181, %cond3A_182 : i32
        scf.if %cond3A_183 {
          %add3A_185 = arith.constant 2 : i32
          %add3A_186 = arith.addi %add3A_156, %add3A_185 : i32
          %dma_start3A_187 = arith.constant 0 : i32
          %dma_start3A_188 = tpu.memref_slice %arg6[%add3A_186, %dma_start3A_187] : memref<32x64xi32, #tpu.memory_space<vmem>> -> memref<1x64xi32, #tpu.memory_space<vmem>>
          %dma_start3A_189 = tpu.memref_squeeze %dma_start3A_188 : memref<1x64xi32, #tpu.memory_space<vmem>> -> memref<64xi32, #tpu.memory_space<vmem>>
          %dma_start3A_190 = arith.constant 0 : i32
          %dma_start3A_191 = arith.constant 0 : i32
          %dma_start3A_192 = tpu.memref_slice %arg2[%arg0, %dma_start3A_190, %dma_start3A_191] : memref<2x10112x128xf32, #tpu.memory_space<hbm>> -> memref<1x10112x128xf32, #tpu.memory_space<hbm>>
          %dma_start3A_193 = tpu.memref_squeeze %dma_start3A_192 : memref<1x10112x128xf32, #tpu.memory_space<hbm>> -> memref<10112x128xf32, #tpu.memory_space<hbm>>
          %dma_start3A_194 = arith.constant 0 : i32
          %dma_start3A_195 = arith.constant 0 : i32
          %dma_start3A_196 = tpu.memref_slice %dma_start3A_193[%dma_start3A_194, %dma_start3A_195] : memref<10112x128xf32, #tpu.memory_space<hbm>> -> memref<10112x128xf32, #tpu.memory_space<hbm>>
          tpu.enqueue_indirect_dma source(%dma_start3A_196 : memref<10112x128xf32, #tpu.memory_space<hbm>>) target(%arg9 : memref<64x128xf32, #tpu.memory_space<vmem>>) offsets(%dma_start3A_189 : memref<64xi32, #tpu.memory_space<vmem>>) semaphore(%arg14 : memref<!tpu.dma_semaphore, #tpu.memory_space<semaphore_mem>>)
        } else {
        }
        %scan3A_184 = arith.constant 0 : i32
        scf.yield %scan3A_184 : i32
      }
      %scan3A_41 = arith.constant 8 : i32
      %dma_wait3A = arith.constant 0 : i32
      %dma_wait3A_42 = arith.constant 0 : i32
      %dma_wait3A_43 = tpu.memref_slice %arg7[%dma_wait3A, %dma_wait3A_42] : memref<32x64xi32, #tpu.memory_space<vmem>> -> memref<1x64xi32, #tpu.memory_space<vmem>>
      %dma_wait3A_44 = tpu.memref_squeeze %dma_wait3A_43 : memref<1x64xi32, #tpu.memory_space<vmem>> -> memref<64xi32, #tpu.memory_space<vmem>>
      %dma_wait3A_45 = arith.constant 0 : i32
      %dma_wait3A_46 = arith.constant 0 : i32
      %dma_wait3A_47 = tpu.memref_slice %arg12[%dma_wait3A_45, %dma_wait3A_46] : memref<10112x128xf32, #tpu.memory_space<vmem_shared>> -> memref<10112x128xf32, #tpu.memory_space<vmem_shared>>
      tpu.wait_indirect_dma semaphore(%arg19 : memref<!tpu.dma_semaphore, #tpu.memory_space<semaphore_mem>>) src(%arg10 : memref<64x128xf32, #tpu.memory_space<vmem>>) dst(%dma_wait3A_47 : memref<10112x128xf32, #tpu.memory_space<vmem_shared>>)
      %dma_wait3A_48 = arith.constant 0 : i32
      %dma_wait3A_49 = arith.constant 0 : i32
      %dma_wait3A_50 = tpu.memref_slice %arg7[%dma_wait3A_48, %dma_wait3A_49] : memref<32x64xi32, #tpu.memory_space<vmem>> -> memref<1x64xi32, #tpu.memory_space<vmem>>
      %dma_wait3A_51 = tpu.memref_squeeze %dma_wait3A_50 : memref<1x64xi32, #tpu.memory_space<vmem>> -> memref<64xi32, #tpu.memory_space<vmem>>
      %dma_wait3A_52 = arith.constant 0 : i32
      %dma_wait3A_53 = arith.constant 0 : i32
      %dma_wait3A_54 = tpu.memref_slice %arg12[%dma_wait3A_52, %dma_wait3A_53] : memref<10112x128xf32, #tpu.memory_space<vmem_shared>> -> memref<10112x128xf32, #tpu.memory_space<vmem_shared>>
      tpu.wait_indirect_dma semaphore(%arg20 : memref<!tpu.dma_semaphore, #tpu.memory_space<semaphore_mem>>) src(%arg11 : memref<64x128xf32, #tpu.memory_space<vmem>>) dst(%dma_wait3A_54 : memref<10112x128xf32, #tpu.memory_space<vmem_shared>>)
      %scan3A_55 = arith.constant 0 : i32
      scf.yield %scan3A_55 : i32
    }
    %scan3A_8 = arith.constant 5 : i32
    %barrier3A_9 = arith.constant 0 : index
    tpu.barrier barrier_id(%barrier3A_9)
    "tpu.region"() ({
      %run_scoped3A = tpu.sem_alloc : memref<!tpu.dma_semaphore, #tpu.memory_space<semaphore_mem>>
      %dma_start3A = arith.constant 0 : i32
      %dma_start3A_10 = arith.constant 0 : i32
      %dma_start3A_11 = tpu.memref_slice %arg5[%arg0, %dma_start3A, %dma_start3A_10] : memref<2x10112x128xf32, #tpu.memory_space<hbm>> -> memref<1x10112x128xf32, #tpu.memory_space<hbm>>
      %dma_start3A_12 = tpu.memref_squeeze %dma_start3A_11 : memref<1x10112x128xf32, #tpu.memory_space<hbm>> -> memref<10112x128xf32, #tpu.memory_space<hbm>>
      %dma_start3A_13 = arith.constant 0 : i32
      %dma_start3A_14 = tpu.memref_slice %dma_start3A_12[%mul3A_0, %dma_start3A_13] : memref<10112x128xf32, #tpu.memory_space<hbm>> -> memref<632x128xf32, #tpu.memory_space<hbm>>
      %dma_start3A_15 = arith.constant 0 : i32
      %dma_start3A_16 = tpu.memref_slice %arg12[%mul3A_0, %dma_start3A_15] : memref<10112x128xf32, #tpu.memory_space<vmem_shared>> -> memref<632x128xf32, #tpu.memory_space<vmem_shared>>
      tpu.enqueue_dma source(%dma_start3A_16 : memref<632x128xf32, #tpu.memory_space<vmem_shared>>) target(%dma_start3A_14 : memref<632x128xf32, #tpu.memory_space<hbm>>) target_semaphore(%run_scoped3A : memref<!tpu.dma_semaphore, #tpu.memory_space<semaphore_mem>>)
      %dma_wait3A = arith.constant 0 : i32
      %dma_wait3A_17 = arith.constant 0 : i32
      %dma_wait3A_18 = tpu.memref_slice %arg5[%arg0, %dma_wait3A, %dma_wait3A_17] : memref<2x10112x128xf32, #tpu.memory_space<hbm>> -> memref<1x10112x128xf32, #tpu.memory_space<hbm>>
      %dma_wait3A_19 = tpu.memref_squeeze %dma_wait3A_18 : memref<1x10112x128xf32, #tpu.memory_space<hbm>> -> memref<10112x128xf32, #tpu.memory_space<hbm>>
      %dma_wait3A_20 = arith.constant 0 : i32
      %dma_wait3A_21 = tpu.memref_slice %dma_wait3A_19[%mul3A_0, %dma_wait3A_20] : memref<10112x128xf32, #tpu.memory_space<hbm>> -> memref<632x128xf32, #tpu.memory_space<hbm>>
      %dma_wait3A_22 = arith.constant 0 : i32
      %dma_wait3A_23 = tpu.memref_slice %arg12[%mul3A_0, %dma_wait3A_22] : memref<10112x128xf32, #tpu.memory_space<vmem_shared>> -> memref<632x128xf32, #tpu.memory_space<vmem_shared>>
      tpu.wait_dma2 semaphore(%run_scoped3A : memref<!tpu.dma_semaphore, #tpu.memory_space<semaphore_mem>>) src(%dma_wait3A_23 : memref<632x128xf32, #tpu.memory_space<vmem_shared>>) dst(%dma_wait3A_21 : memref<632x128xf32, #tpu.memory_space<hbm>>)
      tpu.yield
    }) : () -> ()
    return
  }
}

#map = affine_map<(d0, d1) -> (0, 0)>
#map1 = affine_map<(d0, d1) -> (0, 0, 0)>
module attributes {stable_mosaic.version = 14 : i64} {
  func.func @mp2_kernel(%arg0: i32, %arg1: i32, %arg2: memref<10112x48xf32, #tpu.memory_space<hbm>>, %arg3: memref<1280x128xi32, #tpu.memory_space<hbm>>, %arg4: memref<1280x128xi32, #tpu.memory_space<hbm>>, %arg5: memref<2x10112x48xf32, #tpu.memory_space<hbm>>, %arg6: memref<40x128xi32, #tpu.memory_space<vmem>>, %arg7: memref<40x128xi32, #tpu.memory_space<vmem>>, %arg8: memref<128x48xf32, #tpu.memory_space<vmem>>, %arg9: memref<128x48xf32, #tpu.memory_space<vmem>>, %arg10: memref<128x48xf32, #tpu.memory_space<vmem>>, %arg11: memref<128x48xf32, #tpu.memory_space<vmem>>, %arg12: memref<10112x48xf32, #tpu.memory_space<vmem_shared>>, %arg13: memref<!tpu.dma_semaphore, #tpu.memory_space<semaphore_mem>>, %arg14: memref<!tpu.dma_semaphore, #tpu.memory_space<semaphore_mem>>, %arg15: memref<!tpu.dma_semaphore, #tpu.memory_space<semaphore_mem>>, %arg16: memref<!tpu.dma_semaphore, #tpu.memory_space<semaphore_mem>>, %arg17: memref<!tpu.dma_semaphore, #tpu.memory_space<semaphore_mem>>, %arg18: memref<!tpu.dma_semaphore, #tpu.memory_space<semaphore_mem>>, %arg19: memref<!tpu.dma_semaphore, #tpu.memory_space<semaphore_mem>>, %arg20: memref<!tpu.dma_semaphore, #tpu.memory_space<semaphore_mem>>) attributes {dimension_semantics = [#tpu.dimension_semantics<core_parallel>, #tpu.dimension_semantics<subcore_parallel>], iteration_bounds = array<i64: 2, 16>, scalar_prefetch = 0 : i64, scratch_operands = 15 : i64, tpu.core_type = #tpu.core_type<sc_vector_subcore>, window_params = [{transform_indices = #map}, {transform_indices = #map}, {transform_indices = #map}, {transform_indices = #map1}]} {
    %mul3A = arith.constant 632 : i32
    %mul3A_0 = arith.muli %arg1, %mul3A : i32
    "tpu.region"() ({
      %run_scoped3A = tpu.sem_alloc : memref<!tpu.dma_semaphore, #tpu.memory_space<semaphore_mem>>
      %dma_start3A_38 = arith.constant 0 : i32
      %dma_start3A_39 = tpu.memref_slice %arg12[%mul3A_0, %dma_start3A_38] : memref<10112x48xf32, #tpu.memory_space<vmem_shared>> -> memref<632x48xf32, #tpu.memory_space<vmem_shared>>
      %dma_start3A_40 = arith.constant 0 : i32
      %dma_start3A_41 = tpu.memref_slice %arg2[%mul3A_0, %dma_start3A_40] : memref<10112x48xf32, #tpu.memory_space<hbm>> -> memref<632x48xf32, #tpu.memory_space<hbm>>
      tpu.enqueue_dma source(%dma_start3A_41 : memref<632x48xf32, #tpu.memory_space<hbm>>) target(%dma_start3A_39 : memref<632x48xf32, #tpu.memory_space<vmem_shared>>) target_semaphore(%run_scoped3A : memref<!tpu.dma_semaphore, #tpu.memory_space<semaphore_mem>>)
      %dma_wait3A_42 = arith.constant 0 : i32
      %dma_wait3A_43 = tpu.memref_slice %arg12[%mul3A_0, %dma_wait3A_42] : memref<10112x48xf32, #tpu.memory_space<vmem_shared>> -> memref<632x48xf32, #tpu.memory_space<vmem_shared>>
      %dma_wait3A_44 = arith.constant 0 : i32
      %dma_wait3A_45 = tpu.memref_slice %arg2[%mul3A_0, %dma_wait3A_44] : memref<10112x48xf32, #tpu.memory_space<hbm>> -> memref<632x48xf32, #tpu.memory_space<hbm>>
      tpu.wait_dma2 semaphore(%run_scoped3A : memref<!tpu.dma_semaphore, #tpu.memory_space<semaphore_mem>>) src(%dma_wait3A_45 : memref<632x48xf32, #tpu.memory_space<hbm>>) dst(%dma_wait3A_43 : memref<632x48xf32, #tpu.memory_space<vmem_shared>>)
      tpu.yield
    }) : () -> ()
    %mul3A_1 = arith.constant 16 : i32
    %mul3A_2 = arith.muli %arg0, %mul3A_1 : i32
    %add3A = arith.addi %mul3A_2, %arg1 : i32
    %mul3A_3 = arith.constant 40 : i32
    %mul3A_4 = arith.muli %add3A, %mul3A_3 : i32
    "tpu.region"() ({
      %run_scoped3A = tpu.sem_alloc : memref<!tpu.dma_semaphore, #tpu.memory_space<semaphore_mem>>
      %dma_start3A_38 = arith.constant 0 : i32
      %dma_start3A_39 = tpu.memref_slice %arg3[%mul3A_4, %dma_start3A_38] : memref<1280x128xi32, #tpu.memory_space<hbm>> -> memref<40x128xi32, #tpu.memory_space<hbm>>
      %dma_start3A_40 = arith.constant 0 : i32
      %dma_start3A_41 = tpu.memref_slice %arg3[%mul3A_4, %dma_start3A_40] : memref<1280x128xi32, #tpu.memory_space<hbm>> -> memref<40x128xi32, #tpu.memory_space<hbm>>
      tpu.enqueue_dma source(%dma_start3A_41 : memref<40x128xi32, #tpu.memory_space<hbm>>) target(%arg6 : memref<40x128xi32, #tpu.memory_space<vmem>>) target_semaphore(%run_scoped3A : memref<!tpu.dma_semaphore, #tpu.memory_space<semaphore_mem>>)
      %dma_wait3A_42 = arith.constant 0 : i32
      %dma_wait3A_43 = tpu.memref_slice %arg3[%mul3A_4, %dma_wait3A_42] : memref<1280x128xi32, #tpu.memory_space<hbm>> -> memref<40x128xi32, #tpu.memory_space<hbm>>
      %dma_wait3A_44 = arith.constant 0 : i32
      %dma_wait3A_45 = tpu.memref_slice %arg3[%mul3A_4, %dma_wait3A_44] : memref<1280x128xi32, #tpu.memory_space<hbm>> -> memref<40x128xi32, #tpu.memory_space<hbm>>
      tpu.wait_dma2 semaphore(%run_scoped3A : memref<!tpu.dma_semaphore, #tpu.memory_space<semaphore_mem>>) src(%dma_wait3A_45 : memref<40x128xi32, #tpu.memory_space<hbm>>) dst(%arg6 : memref<40x128xi32, #tpu.memory_space<vmem>>)
      tpu.yield
    }) : () -> ()
    "tpu.region"() ({
      %run_scoped3A = tpu.sem_alloc : memref<!tpu.dma_semaphore, #tpu.memory_space<semaphore_mem>>
      %dma_start3A_38 = arith.constant 0 : i32
      %dma_start3A_39 = tpu.memref_slice %arg4[%mul3A_4, %dma_start3A_38] : memref<1280x128xi32, #tpu.memory_space<hbm>> -> memref<40x128xi32, #tpu.memory_space<hbm>>
      %dma_start3A_40 = arith.constant 0 : i32
      %dma_start3A_41 = tpu.memref_slice %arg4[%mul3A_4, %dma_start3A_40] : memref<1280x128xi32, #tpu.memory_space<hbm>> -> memref<40x128xi32, #tpu.memory_space<hbm>>
      tpu.enqueue_dma source(%dma_start3A_41 : memref<40x128xi32, #tpu.memory_space<hbm>>) target(%arg7 : memref<40x128xi32, #tpu.memory_space<vmem>>) target_semaphore(%run_scoped3A : memref<!tpu.dma_semaphore, #tpu.memory_space<semaphore_mem>>)
      %dma_wait3A_42 = arith.constant 0 : i32
      %dma_wait3A_43 = tpu.memref_slice %arg4[%mul3A_4, %dma_wait3A_42] : memref<1280x128xi32, #tpu.memory_space<hbm>> -> memref<40x128xi32, #tpu.memory_space<hbm>>
      %dma_wait3A_44 = arith.constant 0 : i32
      %dma_wait3A_45 = tpu.memref_slice %arg4[%mul3A_4, %dma_wait3A_44] : memref<1280x128xi32, #tpu.memory_space<hbm>> -> memref<40x128xi32, #tpu.memory_space<hbm>>
      tpu.wait_dma2 semaphore(%run_scoped3A : memref<!tpu.dma_semaphore, #tpu.memory_space<semaphore_mem>>) src(%dma_wait3A_45 : memref<40x128xi32, #tpu.memory_space<hbm>>) dst(%arg7 : memref<40x128xi32, #tpu.memory_space<vmem>>)
      tpu.yield
    }) : () -> ()
    %barrier3A = arith.constant 0 : index
    tpu.barrier barrier_id(%barrier3A)
    %dma_start3A = arith.constant 0 : i32
    %dma_start3A_5 = arith.constant 0 : i32
    %dma_start3A_6 = tpu.memref_slice %arg6[%dma_start3A, %dma_start3A_5] : memref<40x128xi32, #tpu.memory_space<vmem>> -> memref<1x128xi32, #tpu.memory_space<vmem>>
    %dma_start3A_7 = tpu.memref_squeeze %dma_start3A_6 : memref<1x128xi32, #tpu.memory_space<vmem>> -> memref<128xi32, #tpu.memory_space<vmem>>
    %dma_start3A_8 = arith.constant 0 : i32
    %dma_start3A_9 = arith.constant 0 : i32
    %dma_start3A_10 = tpu.memref_slice %arg2[%dma_start3A_8, %dma_start3A_9] : memref<10112x48xf32, #tpu.memory_space<hbm>> -> memref<10112x48xf32, #tpu.memory_space<hbm>>
    tpu.enqueue_indirect_dma source(%dma_start3A_10 : memref<10112x48xf32, #tpu.memory_space<hbm>>) target(%arg8 : memref<128x48xf32, #tpu.memory_space<vmem>>) offsets(%dma_start3A_7 : memref<128xi32, #tpu.memory_space<vmem>>) semaphore(%arg13 : memref<!tpu.dma_semaphore, #tpu.memory_space<semaphore_mem>>)
    %dma_start3A_11 = arith.constant 1 : i32
    %dma_start3A_12 = arith.constant 0 : i32
    %dma_start3A_13 = tpu.memref_slice %arg6[%dma_start3A_11, %dma_start3A_12] : memref<40x128xi32, #tpu.memory_space<vmem>> -> memref<1x128xi32, #tpu.memory_space<vmem>>
    %dma_start3A_14 = tpu.memref_squeeze %dma_start3A_13 : memref<1x128xi32, #tpu.memory_space<vmem>> -> memref<128xi32, #tpu.memory_space<vmem>>
    %dma_start3A_15 = arith.constant 0 : i32
    %dma_start3A_16 = arith.constant 0 : i32
    %dma_start3A_17 = tpu.memref_slice %arg2[%dma_start3A_15, %dma_start3A_16] : memref<10112x48xf32, #tpu.memory_space<hbm>> -> memref<10112x48xf32, #tpu.memory_space<hbm>>
    tpu.enqueue_indirect_dma source(%dma_start3A_17 : memref<10112x48xf32, #tpu.memory_space<hbm>>) target(%arg9 : memref<128x48xf32, #tpu.memory_space<vmem>>) offsets(%dma_start3A_14 : memref<128xi32, #tpu.memory_space<vmem>>) semaphore(%arg14 : memref<!tpu.dma_semaphore, #tpu.memory_space<semaphore_mem>>)
    %scan3A = arith.constant 0 : i32
    %scan3A_18 = arith.constant 0 : i32
    %scan3A_19 = arith.constant 10 : i32
    %scan3A_20 = arith.addi %scan3A_18, %scan3A_19 : i32
    %scan3A_21 = arith.constant 1 : i32
    %scan3A_22 = scf.for %scan3A_38 = %scan3A_18 to %scan3A_20 step %scan3A_21 iter_args(%scan3A_39 = %scan3A) -> (i32)  : i32 {
      %mul3A_40 = arith.constant 4 : i32
      %mul3A_41 = arith.muli %scan3A_38, %mul3A_40 : i32
      %add3A_42 = arith.constant 0 : i32
      %add3A_43 = arith.addi %mul3A_41, %add3A_42 : i32
      %dma_wait3A_44 = arith.constant 0 : i32
      %dma_wait3A_45 = tpu.memref_slice %arg6[%add3A_43, %dma_wait3A_44] : memref<40x128xi32, #tpu.memory_space<vmem>> -> memref<1x128xi32, #tpu.memory_space<vmem>>
      %dma_wait3A_46 = tpu.memref_squeeze %dma_wait3A_45 : memref<1x128xi32, #tpu.memory_space<vmem>> -> memref<128xi32, #tpu.memory_space<vmem>>
      %dma_wait3A_47 = arith.constant 0 : i32
      %dma_wait3A_48 = arith.constant 0 : i32
      %dma_wait3A_49 = tpu.memref_slice %arg2[%dma_wait3A_47, %dma_wait3A_48] : memref<10112x48xf32, #tpu.memory_space<hbm>> -> memref<10112x48xf32, #tpu.memory_space<hbm>>
      tpu.wait_indirect_dma semaphore(%arg13 : memref<!tpu.dma_semaphore, #tpu.memory_space<semaphore_mem>>) src(%dma_wait3A_49 : memref<10112x48xf32, #tpu.memory_space<hbm>>) dst(%arg8 : memref<128x48xf32, #tpu.memory_space<vmem>>)
      %dma_start3A_50 = arith.constant 0 : i32
      %dma_start3A_51 = tpu.memref_slice %arg7[%add3A_43, %dma_start3A_50] : memref<40x128xi32, #tpu.memory_space<vmem>> -> memref<1x128xi32, #tpu.memory_space<vmem>>
      %dma_start3A_52 = tpu.memref_squeeze %dma_start3A_51 : memref<1x128xi32, #tpu.memory_space<vmem>> -> memref<128xi32, #tpu.memory_space<vmem>>
      %dma_start3A_53 = arith.constant 0 : i32
      %dma_start3A_54 = arith.constant 0 : i32
      %dma_start3A_55 = tpu.memref_slice %arg12[%dma_start3A_53, %dma_start3A_54] : memref<10112x48xf32, #tpu.memory_space<vmem_shared>> -> memref<10112x48xf32, #tpu.memory_space<vmem_shared>>
      tpu.enqueue_indirect_dma source(%arg8 : memref<128x48xf32, #tpu.memory_space<vmem>>) target(%dma_start3A_55 : memref<10112x48xf32, #tpu.memory_space<vmem_shared>>) offsets(%dma_start3A_52 : memref<128xi32, #tpu.memory_space<vmem>>) semaphore(%arg17 : memref<!tpu.dma_semaphore, #tpu.memory_space<semaphore_mem>>) {add = true}
      %gt3A = arith.constant 0 : i32
      %gt3A_56 = arith.cmpi sgt, %mul3A_41, %gt3A : i32
      %convert_element_type3A = arith.extui %gt3A_56 : i1 to i32
      %cond3A = arith.constant 0 : i32
      %cond3A_57 = arith.cmpi ne, %convert_element_type3A, %cond3A : i32
      scf.if %cond3A_57 {
        %dma_wait3A_143 = arith.constant 0 : i32
        %dma_wait3A_144 = tpu.memref_slice %arg7[%add3A_43, %dma_wait3A_143] : memref<40x128xi32, #tpu.memory_space<vmem>> -> memref<1x128xi32, #tpu.memory_space<vmem>>
        %dma_wait3A_145 = tpu.memref_squeeze %dma_wait3A_144 : memref<1x128xi32, #tpu.memory_space<vmem>> -> memref<128xi32, #tpu.memory_space<vmem>>
        %dma_wait3A_146 = arith.constant 0 : i32
        %dma_wait3A_147 = arith.constant 0 : i32
        %dma_wait3A_148 = tpu.memref_slice %arg12[%dma_wait3A_146, %dma_wait3A_147] : memref<10112x48xf32, #tpu.memory_space<vmem_shared>> -> memref<10112x48xf32, #tpu.memory_space<vmem_shared>>
        tpu.wait_indirect_dma semaphore(%arg19 : memref<!tpu.dma_semaphore, #tpu.memory_space<semaphore_mem>>) src(%arg10 : memref<128x48xf32, #tpu.memory_space<vmem>>) dst(%dma_wait3A_148 : memref<10112x48xf32, #tpu.memory_space<vmem_shared>>)
      } else {
      }
      %add3A_58 = arith.constant 2 : i32
      %add3A_59 = arith.addi %add3A_43, %add3A_58 : i32
      %dma_start3A_60 = arith.constant 0 : i32
      %dma_start3A_61 = tpu.memref_slice %arg6[%add3A_59, %dma_start3A_60] : memref<40x128xi32, #tpu.memory_space<vmem>> -> memref<1x128xi32, #tpu.memory_space<vmem>>
      %dma_start3A_62 = tpu.memref_squeeze %dma_start3A_61 : memref<1x128xi32, #tpu.memory_space<vmem>> -> memref<128xi32, #tpu.memory_space<vmem>>
      %dma_start3A_63 = arith.constant 0 : i32
      %dma_start3A_64 = arith.constant 0 : i32
      %dma_start3A_65 = tpu.memref_slice %arg2[%dma_start3A_63, %dma_start3A_64] : memref<10112x48xf32, #tpu.memory_space<hbm>> -> memref<10112x48xf32, #tpu.memory_space<hbm>>
      tpu.enqueue_indirect_dma source(%dma_start3A_65 : memref<10112x48xf32, #tpu.memory_space<hbm>>) target(%arg10 : memref<128x48xf32, #tpu.memory_space<vmem>>) offsets(%dma_start3A_62 : memref<128xi32, #tpu.memory_space<vmem>>) semaphore(%arg15 : memref<!tpu.dma_semaphore, #tpu.memory_space<semaphore_mem>>)
      %add3A_66 = arith.constant 1 : i32
      %add3A_67 = arith.addi %mul3A_41, %add3A_66 : i32
      %dma_wait3A_68 = arith.constant 0 : i32
      %dma_wait3A_69 = tpu.memref_slice %arg6[%add3A_67, %dma_wait3A_68] : memref<40x128xi32, #tpu.memory_space<vmem>> -> memref<1x128xi32, #tpu.memory_space<vmem>>
      %dma_wait3A_70 = tpu.memref_squeeze %dma_wait3A_69 : memref<1x128xi32, #tpu.memory_space<vmem>> -> memref<128xi32, #tpu.memory_space<vmem>>
      %dma_wait3A_71 = arith.constant 0 : i32
      %dma_wait3A_72 = arith.constant 0 : i32
      %dma_wait3A_73 = tpu.memref_slice %arg2[%dma_wait3A_71, %dma_wait3A_72] : memref<10112x48xf32, #tpu.memory_space<hbm>> -> memref<10112x48xf32, #tpu.memory_space<hbm>>
      tpu.wait_indirect_dma semaphore(%arg14 : memref<!tpu.dma_semaphore, #tpu.memory_space<semaphore_mem>>) src(%dma_wait3A_73 : memref<10112x48xf32, #tpu.memory_space<hbm>>) dst(%arg9 : memref<128x48xf32, #tpu.memory_space<vmem>>)
      %dma_start3A_74 = arith.constant 0 : i32
      %dma_start3A_75 = tpu.memref_slice %arg7[%add3A_67, %dma_start3A_74] : memref<40x128xi32, #tpu.memory_space<vmem>> -> memref<1x128xi32, #tpu.memory_space<vmem>>
      %dma_start3A_76 = tpu.memref_squeeze %dma_start3A_75 : memref<1x128xi32, #tpu.memory_space<vmem>> -> memref<128xi32, #tpu.memory_space<vmem>>
      %dma_start3A_77 = arith.constant 0 : i32
      %dma_start3A_78 = arith.constant 0 : i32
      %dma_start3A_79 = tpu.memref_slice %arg12[%dma_start3A_77, %dma_start3A_78] : memref<10112x48xf32, #tpu.memory_space<vmem_shared>> -> memref<10112x48xf32, #tpu.memory_space<vmem_shared>>
      tpu.enqueue_indirect_dma source(%arg9 : memref<128x48xf32, #tpu.memory_space<vmem>>) target(%dma_start3A_79 : memref<10112x48xf32, #tpu.memory_space<vmem_shared>>) offsets(%dma_start3A_76 : memref<128xi32, #tpu.memory_space<vmem>>) semaphore(%arg18 : memref<!tpu.dma_semaphore, #tpu.memory_space<semaphore_mem>>) {add = true}
      %gt3A_80 = arith.constant 0 : i32
      %gt3A_81 = arith.cmpi sgt, %mul3A_41, %gt3A_80 : i32
      %convert_element_type3A_82 = arith.extui %gt3A_81 : i1 to i32
      %cond3A_83 = arith.constant 0 : i32
      %cond3A_84 = arith.cmpi ne, %convert_element_type3A_82, %cond3A_83 : i32
      scf.if %cond3A_84 {
        %dma_wait3A_143 = arith.constant 0 : i32
        %dma_wait3A_144 = tpu.memref_slice %arg7[%add3A_67, %dma_wait3A_143] : memref<40x128xi32, #tpu.memory_space<vmem>> -> memref<1x128xi32, #tpu.memory_space<vmem>>
        %dma_wait3A_145 = tpu.memref_squeeze %dma_wait3A_144 : memref<1x128xi32, #tpu.memory_space<vmem>> -> memref<128xi32, #tpu.memory_space<vmem>>
        %dma_wait3A_146 = arith.constant 0 : i32
        %dma_wait3A_147 = arith.constant 0 : i32
        %dma_wait3A_148 = tpu.memref_slice %arg12[%dma_wait3A_146, %dma_wait3A_147] : memref<10112x48xf32, #tpu.memory_space<vmem_shared>> -> memref<10112x48xf32, #tpu.memory_space<vmem_shared>>
        tpu.wait_indirect_dma semaphore(%arg20 : memref<!tpu.dma_semaphore, #tpu.memory_space<semaphore_mem>>) src(%arg11 : memref<128x48xf32, #tpu.memory_space<vmem>>) dst(%dma_wait3A_148 : memref<10112x48xf32, #tpu.memory_space<vmem_shared>>)
      } else {
      }
      %add3A_85 = arith.constant 2 : i32
      %add3A_86 = arith.addi %add3A_67, %add3A_85 : i32
      %dma_start3A_87 = arith.constant 0 : i32
      %dma_start3A_88 = tpu.memref_slice %arg6[%add3A_86, %dma_start3A_87] : memref<40x128xi32, #tpu.memory_space<vmem>> -> memref<1x128xi32, #tpu.memory_space<vmem>>
      %dma_start3A_89 = tpu.memref_squeeze %dma_start3A_88 : memref<1x128xi32, #tpu.memory_space<vmem>> -> memref<128xi32, #tpu.memory_space<vmem>>
      %dma_start3A_90 = arith.constant 0 : i32
      %dma_start3A_91 = arith.constant 0 : i32
      %dma_start3A_92 = tpu.memref_slice %arg2[%dma_start3A_90, %dma_start3A_91] : memref<10112x48xf32, #tpu.memory_space<hbm>> -> memref<10112x48xf32, #tpu.memory_space<hbm>>
      tpu.enqueue_indirect_dma source(%dma_start3A_92 : memref<10112x48xf32, #tpu.memory_space<hbm>>) target(%arg11 : memref<128x48xf32, #tpu.memory_space<vmem>>) offsets(%dma_start3A_89 : memref<128xi32, #tpu.memory_space<vmem>>) semaphore(%arg16 : memref<!tpu.dma_semaphore, #tpu.memory_space<semaphore_mem>>)
      %add3A_93 = arith.constant 2 : i32
      %add3A_94 = arith.addi %mul3A_41, %add3A_93 : i32
      %dma_wait3A_95 = arith.constant 0 : i32
      %dma_wait3A_96 = tpu.memref_slice %arg6[%add3A_94, %dma_wait3A_95] : memref<40x128xi32, #tpu.memory_space<vmem>> -> memref<1x128xi32, #tpu.memory_space<vmem>>
      %dma_wait3A_97 = tpu.memref_squeeze %dma_wait3A_96 : memref<1x128xi32, #tpu.memory_space<vmem>> -> memref<128xi32, #tpu.memory_space<vmem>>
      %dma_wait3A_98 = arith.constant 0 : i32
      %dma_wait3A_99 = arith.constant 0 : i32
      %dma_wait3A_100 = tpu.memref_slice %arg2[%dma_wait3A_98, %dma_wait3A_99] : memref<10112x48xf32, #tpu.memory_space<hbm>> -> memref<10112x48xf32, #tpu.memory_space<hbm>>
      tpu.wait_indirect_dma semaphore(%arg15 : memref<!tpu.dma_semaphore, #tpu.memory_space<semaphore_mem>>) src(%dma_wait3A_100 : memref<10112x48xf32, #tpu.memory_space<hbm>>) dst(%arg10 : memref<128x48xf32, #tpu.memory_space<vmem>>)
      %dma_start3A_101 = arith.constant 0 : i32
      %dma_start3A_102 = tpu.memref_slice %arg7[%add3A_94, %dma_start3A_101] : memref<40x128xi32, #tpu.memory_space<vmem>> -> memref<1x128xi32, #tpu.memory_space<vmem>>
      %dma_start3A_103 = tpu.memref_squeeze %dma_start3A_102 : memref<1x128xi32, #tpu.memory_space<vmem>> -> memref<128xi32, #tpu.memory_space<vmem>>
      %dma_start3A_104 = arith.constant 0 : i32
      %dma_start3A_105 = arith.constant 0 : i32
      %dma_start3A_106 = tpu.memref_slice %arg12[%dma_start3A_104, %dma_start3A_105] : memref<10112x48xf32, #tpu.memory_space<vmem_shared>> -> memref<10112x48xf32, #tpu.memory_space<vmem_shared>>
      tpu.enqueue_indirect_dma source(%arg10 : memref<128x48xf32, #tpu.memory_space<vmem>>) target(%dma_start3A_106 : memref<10112x48xf32, #tpu.memory_space<vmem_shared>>) offsets(%dma_start3A_103 : memref<128xi32, #tpu.memory_space<vmem>>) semaphore(%arg19 : memref<!tpu.dma_semaphore, #tpu.memory_space<semaphore_mem>>) {add = true}
      %dma_wait3A_107 = arith.constant 0 : i32
      %dma_wait3A_108 = tpu.memref_slice %arg7[%add3A_94, %dma_wait3A_107] : memref<40x128xi32, #tpu.memory_space<vmem>> -> memref<1x128xi32, #tpu.memory_space<vmem>>
      %dma_wait3A_109 = tpu.memref_squeeze %dma_wait3A_108 : memref<1x128xi32, #tpu.memory_space<vmem>> -> memref<128xi32, #tpu.memory_space<vmem>>
      %dma_wait3A_110 = arith.constant 0 : i32
      %dma_wait3A_111 = arith.constant 0 : i32
      %dma_wait3A_112 = tpu.memref_slice %arg12[%dma_wait3A_110, %dma_wait3A_111] : memref<10112x48xf32, #tpu.memory_space<vmem_shared>> -> memref<10112x48xf32, #tpu.memory_space<vmem_shared>>
      tpu.wait_indirect_dma semaphore(%arg17 : memref<!tpu.dma_semaphore, #tpu.memory_space<semaphore_mem>>) src(%arg8 : memref<128x48xf32, #tpu.memory_space<vmem>>) dst(%dma_wait3A_112 : memref<10112x48xf32, #tpu.memory_space<vmem_shared>>)
      %lt3A = arith.constant 36 : i32
      %lt3A_113 = arith.cmpi slt, %mul3A_41, %lt3A : i32
      %convert_element_type3A_114 = arith.extui %lt3A_113 : i1 to i32
      %cond3A_115 = arith.constant 0 : i32
      %cond3A_116 = arith.cmpi ne, %convert_element_type3A_114, %cond3A_115 : i32
      scf.if %cond3A_116 {
        %add3A_143 = arith.constant 2 : i32
        %add3A_144 = arith.addi %add3A_94, %add3A_143 : i32
        %dma_start3A_145 = arith.constant 0 : i32
        %dma_start3A_146 = tpu.memref_slice %arg6[%add3A_144, %dma_start3A_145] : memref<40x128xi32, #tpu.memory_space<vmem>> -> memref<1x128xi32, #tpu.memory_space<vmem>>
        %dma_start3A_147 = tpu.memref_squeeze %dma_start3A_146 : memref<1x128xi32, #tpu.memory_space<vmem>> -> memref<128xi32, #tpu.memory_space<vmem>>
        %dma_start3A_148 = arith.constant 0 : i32
        %dma_start3A_149 = arith.constant 0 : i32
        %dma_start3A_150 = tpu.memref_slice %arg2[%dma_start3A_148, %dma_start3A_149] : memref<10112x48xf32, #tpu.memory_space<hbm>> -> memref<10112x48xf32, #tpu.memory_space<hbm>>
        tpu.enqueue_indirect_dma source(%dma_start3A_150 : memref<10112x48xf32, #tpu.memory_space<hbm>>) target(%arg8 : memref<128x48xf32, #tpu.memory_space<vmem>>) offsets(%dma_start3A_147 : memref<128xi32, #tpu.memory_space<vmem>>) semaphore(%arg13 : memref<!tpu.dma_semaphore, #tpu.memory_space<semaphore_mem>>)
      } else {
      }
      %add3A_117 = arith.constant 3 : i32
      %add3A_118 = arith.addi %mul3A_41, %add3A_117 : i32
      %dma_wait3A_119 = arith.constant 0 : i32
      %dma_wait3A_120 = tpu.memref_slice %arg6[%add3A_118, %dma_wait3A_119] : memref<40x128xi32, #tpu.memory_space<vmem>> -> memref<1x128xi32, #tpu.memory_space<vmem>>
      %dma_wait3A_121 = tpu.memref_squeeze %dma_wait3A_120 : memref<1x128xi32, #tpu.memory_space<vmem>> -> memref<128xi32, #tpu.memory_space<vmem>>
      %dma_wait3A_122 = arith.constant 0 : i32
      %dma_wait3A_123 = arith.constant 0 : i32
      %dma_wait3A_124 = tpu.memref_slice %arg2[%dma_wait3A_122, %dma_wait3A_123] : memref<10112x48xf32, #tpu.memory_space<hbm>> -> memref<10112x48xf32, #tpu.memory_space<hbm>>
      tpu.wait_indirect_dma semaphore(%arg16 : memref<!tpu.dma_semaphore, #tpu.memory_space<semaphore_mem>>) src(%dma_wait3A_124 : memref<10112x48xf32, #tpu.memory_space<hbm>>) dst(%arg11 : memref<128x48xf32, #tpu.memory_space<vmem>>)
      %dma_start3A_125 = arith.constant 0 : i32
      %dma_start3A_126 = tpu.memref_slice %arg7[%add3A_118, %dma_start3A_125] : memref<40x128xi32, #tpu.memory_space<vmem>> -> memref<1x128xi32, #tpu.memory_space<vmem>>
      %dma_start3A_127 = tpu.memref_squeeze %dma_start3A_126 : memref<1x128xi32, #tpu.memory_space<vmem>> -> memref<128xi32, #tpu.memory_space<vmem>>
      %dma_start3A_128 = arith.constant 0 : i32
      %dma_start3A_129 = arith.constant 0 : i32
      %dma_start3A_130 = tpu.memref_slice %arg12[%dma_start3A_128, %dma_start3A_129] : memref<10112x48xf32, #tpu.memory_space<vmem_shared>> -> memref<10112x48xf32, #tpu.memory_space<vmem_shared>>
      tpu.enqueue_indirect_dma source(%arg11 : memref<128x48xf32, #tpu.memory_space<vmem>>) target(%dma_start3A_130 : memref<10112x48xf32, #tpu.memory_space<vmem_shared>>) offsets(%dma_start3A_127 : memref<128xi32, #tpu.memory_space<vmem>>) semaphore(%arg20 : memref<!tpu.dma_semaphore, #tpu.memory_space<semaphore_mem>>) {add = true}
      %dma_wait3A_131 = arith.constant 0 : i32
      %dma_wait3A_132 = tpu.memref_slice %arg7[%add3A_118, %dma_wait3A_131] : memref<40x128xi32, #tpu.memory_space<vmem>> -> memref<1x128xi32, #tpu.memory_space<vmem>>
      %dma_wait3A_133 = tpu.memref_squeeze %dma_wait3A_132 : memref<1x128xi32, #tpu.memory_space<vmem>> -> memref<128xi32, #tpu.memory_space<vmem>>
      %dma_wait3A_134 = arith.constant 0 : i32
      %dma_wait3A_135 = arith.constant 0 : i32
      %dma_wait3A_136 = tpu.memref_slice %arg12[%dma_wait3A_134, %dma_wait3A_135] : memref<10112x48xf32, #tpu.memory_space<vmem_shared>> -> memref<10112x48xf32, #tpu.memory_space<vmem_shared>>
      tpu.wait_indirect_dma semaphore(%arg18 : memref<!tpu.dma_semaphore, #tpu.memory_space<semaphore_mem>>) src(%arg9 : memref<128x48xf32, #tpu.memory_space<vmem>>) dst(%dma_wait3A_136 : memref<10112x48xf32, #tpu.memory_space<vmem_shared>>)
      %lt3A_137 = arith.constant 36 : i32
      %lt3A_138 = arith.cmpi slt, %mul3A_41, %lt3A_137 : i32
      %convert_element_type3A_139 = arith.extui %lt3A_138 : i1 to i32
      %cond3A_140 = arith.constant 0 : i32
      %cond3A_141 = arith.cmpi ne, %convert_element_type3A_139, %cond3A_140 : i32
      scf.if %cond3A_141 {
        %add3A_143 = arith.constant 2 : i32
        %add3A_144 = arith.addi %add3A_118, %add3A_143 : i32
        %dma_start3A_145 = arith.constant 0 : i32
        %dma_start3A_146 = tpu.memref_slice %arg6[%add3A_144, %dma_start3A_145] : memref<40x128xi32, #tpu.memory_space<vmem>> -> memref<1x128xi32, #tpu.memory_space<vmem>>
        %dma_start3A_147 = tpu.memref_squeeze %dma_start3A_146 : memref<1x128xi32, #tpu.memory_space<vmem>> -> memref<128xi32, #tpu.memory_space<vmem>>
        %dma_start3A_148 = arith.constant 0 : i32
        %dma_start3A_149 = arith.constant 0 : i32
        %dma_start3A_150 = tpu.memref_slice %arg2[%dma_start3A_148, %dma_start3A_149] : memref<10112x48xf32, #tpu.memory_space<hbm>> -> memref<10112x48xf32, #tpu.memory_space<hbm>>
        tpu.enqueue_indirect_dma source(%dma_start3A_150 : memref<10112x48xf32, #tpu.memory_space<hbm>>) target(%arg9 : memref<128x48xf32, #tpu.memory_space<vmem>>) offsets(%dma_start3A_147 : memref<128xi32, #tpu.memory_space<vmem>>) semaphore(%arg14 : memref<!tpu.dma_semaphore, #tpu.memory_space<semaphore_mem>>)
      } else {
      }
      %scan3A_142 = arith.constant 0 : i32
      scf.yield %scan3A_142 : i32
    }
    %scan3A_23 = arith.constant 10 : i32
    %dma_wait3A = arith.constant 0 : i32
    %dma_wait3A_24 = arith.constant 0 : i32
    %dma_wait3A_25 = tpu.memref_slice %arg7[%dma_wait3A, %dma_wait3A_24] : memref<40x128xi32, #tpu.memory_space<vmem>> -> memref<1x128xi32, #tpu.memory_space<vmem>>
    %dma_wait3A_26 = tpu.memref_squeeze %dma_wait3A_25 : memref<1x128xi32, #tpu.memory_space<vmem>> -> memref<128xi32, #tpu.memory_space<vmem>>
    %dma_wait3A_27 = arith.constant 0 : i32
    %dma_wait3A_28 = arith.constant 0 : i32
    %dma_wait3A_29 = tpu.memref_slice %arg12[%dma_wait3A_27, %dma_wait3A_28] : memref<10112x48xf32, #tpu.memory_space<vmem_shared>> -> memref<10112x48xf32, #tpu.memory_space<vmem_shared>>
    tpu.wait_indirect_dma semaphore(%arg19 : memref<!tpu.dma_semaphore, #tpu.memory_space<semaphore_mem>>) src(%arg10 : memref<128x48xf32, #tpu.memory_space<vmem>>) dst(%dma_wait3A_29 : memref<10112x48xf32, #tpu.memory_space<vmem_shared>>)
    %dma_wait3A_30 = arith.constant 0 : i32
    %dma_wait3A_31 = arith.constant 0 : i32
    %dma_wait3A_32 = tpu.memref_slice %arg7[%dma_wait3A_30, %dma_wait3A_31] : memref<40x128xi32, #tpu.memory_space<vmem>> -> memref<1x128xi32, #tpu.memory_space<vmem>>
    %dma_wait3A_33 = tpu.memref_squeeze %dma_wait3A_32 : memref<1x128xi32, #tpu.memory_space<vmem>> -> memref<128xi32, #tpu.memory_space<vmem>>
    %dma_wait3A_34 = arith.constant 0 : i32
    %dma_wait3A_35 = arith.constant 0 : i32
    %dma_wait3A_36 = tpu.memref_slice %arg12[%dma_wait3A_34, %dma_wait3A_35] : memref<10112x48xf32, #tpu.memory_space<vmem_shared>> -> memref<10112x48xf32, #tpu.memory_space<vmem_shared>>
    tpu.wait_indirect_dma semaphore(%arg20 : memref<!tpu.dma_semaphore, #tpu.memory_space<semaphore_mem>>) src(%arg11 : memref<128x48xf32, #tpu.memory_space<vmem>>) dst(%dma_wait3A_36 : memref<10112x48xf32, #tpu.memory_space<vmem_shared>>)
    %barrier3A_37 = arith.constant 0 : index
    tpu.barrier barrier_id(%barrier3A_37)
    "tpu.region"() ({
      %run_scoped3A = tpu.sem_alloc : memref<!tpu.dma_semaphore, #tpu.memory_space<semaphore_mem>>
      %dma_start3A_38 = arith.constant 0 : i32
      %dma_start3A_39 = arith.constant 0 : i32
      %dma_start3A_40 = tpu.memref_slice %arg5[%arg0, %dma_start3A_38, %dma_start3A_39] : memref<2x10112x48xf32, #tpu.memory_space<hbm>> -> memref<1x10112x48xf32, #tpu.memory_space<hbm>>
      %dma_start3A_41 = tpu.memref_squeeze %dma_start3A_40 : memref<1x10112x48xf32, #tpu.memory_space<hbm>> -> memref<10112x48xf32, #tpu.memory_space<hbm>>
      %dma_start3A_42 = arith.constant 0 : i32
      %dma_start3A_43 = tpu.memref_slice %dma_start3A_41[%mul3A_0, %dma_start3A_42] : memref<10112x48xf32, #tpu.memory_space<hbm>> -> memref<632x48xf32, #tpu.memory_space<hbm>>
      %dma_start3A_44 = arith.constant 0 : i32
      %dma_start3A_45 = tpu.memref_slice %arg12[%mul3A_0, %dma_start3A_44] : memref<10112x48xf32, #tpu.memory_space<vmem_shared>> -> memref<632x48xf32, #tpu.memory_space<vmem_shared>>
      tpu.enqueue_dma source(%dma_start3A_45 : memref<632x48xf32, #tpu.memory_space<vmem_shared>>) target(%dma_start3A_43 : memref<632x48xf32, #tpu.memory_space<hbm>>) target_semaphore(%run_scoped3A : memref<!tpu.dma_semaphore, #tpu.memory_space<semaphore_mem>>)
      %dma_wait3A_46 = arith.constant 0 : i32
      %dma_wait3A_47 = arith.constant 0 : i32
      %dma_wait3A_48 = tpu.memref_slice %arg5[%arg0, %dma_wait3A_46, %dma_wait3A_47] : memref<2x10112x48xf32, #tpu.memory_space<hbm>> -> memref<1x10112x48xf32, #tpu.memory_space<hbm>>
      %dma_wait3A_49 = tpu.memref_squeeze %dma_wait3A_48 : memref<1x10112x48xf32, #tpu.memory_space<hbm>> -> memref<10112x48xf32, #tpu.memory_space<hbm>>
      %dma_wait3A_50 = arith.constant 0 : i32
      %dma_wait3A_51 = tpu.memref_slice %dma_wait3A_49[%mul3A_0, %dma_wait3A_50] : memref<10112x48xf32, #tpu.memory_space<hbm>> -> memref<632x48xf32, #tpu.memory_space<hbm>>
      %dma_wait3A_52 = arith.constant 0 : i32
      %dma_wait3A_53 = tpu.memref_slice %arg12[%mul3A_0, %dma_wait3A_52] : memref<10112x48xf32, #tpu.memory_space<vmem_shared>> -> memref<632x48xf32, #tpu.memory_space<vmem_shared>>
      tpu.wait_dma2 semaphore(%run_scoped3A : memref<!tpu.dma_semaphore, #tpu.memory_space<semaphore_mem>>) src(%dma_wait3A_53 : memref<632x48xf32, #tpu.memory_space<vmem_shared>>) dst(%dma_wait3A_51 : memref<632x48xf32, #tpu.memory_space<hbm>>)
      tpu.yield
    }) : () -> ()
    return
  }
}

#map = affine_map<(d0, d1) -> (0, 0)>
module attributes {stable_mosaic.version = 14 : i64} {
  func.func @gather_kernel(%arg0: i32, %arg1: i32, %arg2: memref<10000x48xf32, #tpu.memory_space<hbm>>, %arg3: memref<128x128xi32, #tpu.memory_space<hbm>>, %arg4: memref<16384x48xf32, #tpu.memory_space<hbm>>, %arg5: memref<4x128xi32, #tpu.memory_space<vmem>>, %arg6: memref<128x48xf32, #tpu.memory_space<vmem>>, %arg7: memref<!tpu.dma_semaphore, #tpu.memory_space<semaphore_mem>>) attributes {dimension_semantics = [#tpu.dimension_semantics<core_parallel>, #tpu.dimension_semantics<subcore_parallel>], iteration_bounds = array<i64: 2, 16>, scalar_prefetch = 0 : i64, scratch_operands = 3 : i64, tpu.core_type = #tpu.core_type<sc_vector_subcore>, window_params = [{transform_indices = #map}, {transform_indices = #map}, {transform_indices = #map}]} {
    %mul3A = arith.constant 16 : i32
    %mul3A_0 = arith.muli %arg0, %mul3A : i32
    %add3A = arith.addi %mul3A_0, %arg1 : i32
    %mul3A_1 = arith.constant 4 : i32
    %mul3A_2 = arith.muli %add3A, %mul3A_1 : i32
    "tpu.region"() ({
      %run_scoped3A = tpu.sem_alloc : memref<!tpu.dma_semaphore, #tpu.memory_space<semaphore_mem>>
      %dma_start3A = arith.constant 0 : i32
      %dma_start3A_9 = tpu.memref_slice %arg3[%mul3A_2, %dma_start3A] : memref<128x128xi32, #tpu.memory_space<hbm>> -> memref<4x128xi32, #tpu.memory_space<hbm>>
      %dma_start3A_10 = arith.constant 0 : i32
      %dma_start3A_11 = tpu.memref_slice %arg3[%mul3A_2, %dma_start3A_10] : memref<128x128xi32, #tpu.memory_space<hbm>> -> memref<4x128xi32, #tpu.memory_space<hbm>>
      tpu.enqueue_dma source(%dma_start3A_11 : memref<4x128xi32, #tpu.memory_space<hbm>>) target(%arg5 : memref<4x128xi32, #tpu.memory_space<vmem>>) target_semaphore(%run_scoped3A : memref<!tpu.dma_semaphore, #tpu.memory_space<semaphore_mem>>)
      %dma_wait3A = arith.constant 0 : i32
      %dma_wait3A_12 = tpu.memref_slice %arg3[%mul3A_2, %dma_wait3A] : memref<128x128xi32, #tpu.memory_space<hbm>> -> memref<4x128xi32, #tpu.memory_space<hbm>>
      %dma_wait3A_13 = arith.constant 0 : i32
      %dma_wait3A_14 = tpu.memref_slice %arg3[%mul3A_2, %dma_wait3A_13] : memref<128x128xi32, #tpu.memory_space<hbm>> -> memref<4x128xi32, #tpu.memory_space<hbm>>
      tpu.wait_dma2 semaphore(%run_scoped3A : memref<!tpu.dma_semaphore, #tpu.memory_space<semaphore_mem>>) src(%dma_wait3A_14 : memref<4x128xi32, #tpu.memory_space<hbm>>) dst(%arg5 : memref<4x128xi32, #tpu.memory_space<vmem>>)
      tpu.yield
    }) : () -> ()
    %scan3A = arith.constant 0 : i32
    %scan3A_3 = arith.constant 0 : i32
    %scan3A_4 = arith.constant 4 : i32
    %scan3A_5 = arith.addi %scan3A_3, %scan3A_4 : i32
    %scan3A_6 = arith.constant 1 : i32
    %scan3A_7 = scf.for %scan3A_9 = %scan3A_3 to %scan3A_5 step %scan3A_6 iter_args(%scan3A_10 = %scan3A) -> (i32)  : i32 {
      %dma_start3A = arith.constant 0 : i32
      %dma_start3A_11 = tpu.memref_slice %arg5[%scan3A_9, %dma_start3A] : memref<4x128xi32, #tpu.memory_space<vmem>> -> memref<1x128xi32, #tpu.memory_space<vmem>>
      %dma_start3A_12 = tpu.memref_squeeze %dma_start3A_11 : memref<1x128xi32, #tpu.memory_space<vmem>> -> memref<128xi32, #tpu.memory_space<vmem>>
      %dma_start3A_13 = arith.constant 0 : i32
      %dma_start3A_14 = arith.constant 0 : i32
      %dma_start3A_15 = tpu.memref_slice %arg2[%dma_start3A_13, %dma_start3A_14] : memref<10000x48xf32, #tpu.memory_space<hbm>> -> memref<10000x48xf32, #tpu.memory_space<hbm>>
      tpu.enqueue_indirect_dma source(%dma_start3A_15 : memref<10000x48xf32, #tpu.memory_space<hbm>>) target(%arg6 : memref<128x48xf32, #tpu.memory_space<vmem>>) offsets(%dma_start3A_12 : memref<128xi32, #tpu.memory_space<vmem>>) semaphore(%arg7 : memref<!tpu.dma_semaphore, #tpu.memory_space<semaphore_mem>>)
      %dma_wait3A = arith.constant 0 : i32
      %dma_wait3A_16 = tpu.memref_slice %arg5[%scan3A_9, %dma_wait3A] : memref<4x128xi32, #tpu.memory_space<vmem>> -> memref<1x128xi32, #tpu.memory_space<vmem>>
      %dma_wait3A_17 = tpu.memref_squeeze %dma_wait3A_16 : memref<1x128xi32, #tpu.memory_space<vmem>> -> memref<128xi32, #tpu.memory_space<vmem>>
      %dma_wait3A_18 = arith.constant 0 : i32
      %dma_wait3A_19 = arith.constant 0 : i32
      %dma_wait3A_20 = tpu.memref_slice %arg2[%dma_wait3A_18, %dma_wait3A_19] : memref<10000x48xf32, #tpu.memory_space<hbm>> -> memref<10000x48xf32, #tpu.memory_space<hbm>>
      tpu.wait_indirect_dma semaphore(%arg7 : memref<!tpu.dma_semaphore, #tpu.memory_space<semaphore_mem>>) src(%dma_wait3A_20 : memref<10000x48xf32, #tpu.memory_space<hbm>>) dst(%arg6 : memref<128x48xf32, #tpu.memory_space<vmem>>)
      %add3A_21 = arith.addi %mul3A_2, %scan3A_9 : i32
      %mul3A_22 = arith.constant 128 : i32
      %mul3A_23 = arith.muli %add3A_21, %mul3A_22 : i32
      "tpu.region"() ({
        %run_scoped3A = tpu.sem_alloc : memref<!tpu.dma_semaphore, #tpu.memory_space<semaphore_mem>>
        %dma_start3A_25 = arith.constant 0 : i32
        %dma_start3A_26 = tpu.memref_slice %arg4[%mul3A_23, %dma_start3A_25] : memref<16384x48xf32, #tpu.memory_space<hbm>> -> memref<128x48xf32, #tpu.memory_space<hbm>>
        %dma_start3A_27 = arith.constant 0 : i32
        %dma_start3A_28 = tpu.memref_slice %arg4[%mul3A_23, %dma_start3A_27] : memref<16384x48xf32, #tpu.memory_space<hbm>> -> memref<128x48xf32, #tpu.memory_space<hbm>>
        tpu.enqueue_dma source(%arg6 : memref<128x48xf32, #tpu.memory_space<vmem>>) target(%dma_start3A_28 : memref<128x48xf32, #tpu.memory_space<hbm>>) target_semaphore(%run_scoped3A : memref<!tpu.dma_semaphore, #tpu.memory_space<semaphore_mem>>)
        %dma_wait3A_29 = arith.constant 0 : i32
        %dma_wait3A_30 = tpu.memref_slice %arg4[%mul3A_23, %dma_wait3A_29] : memref<16384x48xf32, #tpu.memory_space<hbm>> -> memref<128x48xf32, #tpu.memory_space<hbm>>
        %dma_wait3A_31 = arith.constant 0 : i32
        %dma_wait3A_32 = tpu.memref_slice %arg4[%mul3A_23, %dma_wait3A_31] : memref<16384x48xf32, #tpu.memory_space<hbm>> -> memref<128x48xf32, #tpu.memory_space<hbm>>
        tpu.wait_dma2 semaphore(%run_scoped3A : memref<!tpu.dma_semaphore, #tpu.memory_space<semaphore_mem>>) src(%arg6 : memref<128x48xf32, #tpu.memory_space<vmem>>) dst(%dma_wait3A_32 : memref<128x48xf32, #tpu.memory_space<hbm>>)
        tpu.yield
      }) : () -> ()
      %scan3A_24 = arith.constant 0 : i32
      scf.yield %scan3A_24 : i32
    }
    %scan3A_8 = arith.constant 4 : i32
    return
  }
}

module attributes {stable_mosaic.version = 14 : i64} {
  func.func @_tc_a_body(%arg0: memref<2x10112x16xf32, #tpu.memory_space<vmem>>, %arg1: memref<10000x256xf32, #tpu.memory_space<vmem>>, %arg2: memref<256x256xf32, #tpu.memory_space<vmem>>, %arg3: memref<2x10112x128xf32, #tpu.memory_space<vmem>>) attributes {dimension_semantics = [], scalar_prefetch = 0 : i64, scratch_operands = 0 : i64, tpu.core_type = #tpu.core_type<tc>} {
    %get3A = arith.constant 0 : index
    %get3A_0 = arith.constant 0 : index
    %get3A_1 = arith.constant 0 : index
    %get3A_2 = vector.load %arg0[%get3A, %get3A_0, %get3A_1] : memref<2x10112x16xf32, #tpu.memory_space<vmem>>, vector<1x10000x16xf32>
    %get3A_3 = vector.shape_cast %get3A_2 : vector<1x10000x16xf32> to vector<10000x16xf32>
    %get3A_4 = arith.constant 1 : index
    %get3A_5 = arith.constant 0 : index
    %get3A_6 = arith.constant 0 : index
    %get3A_7 = vector.load %arg0[%get3A_4, %get3A_5, %get3A_6] : memref<2x10112x16xf32, #tpu.memory_space<vmem>>, vector<1x10000x16xf32>
    %get3A_8 = vector.shape_cast %get3A_7 : vector<1x10000x16xf32> to vector<10000x16xf32>
    %add3A = arith.addf %get3A_3, %get3A_8 : vector<10000x16xf32>
    %reduce_sum3A = arith.constant dense<0.000000e+00> : vector<10000xf32>
    %reduce_sum3A_9 = vector.multi_reduction <add>, %add3A, %reduce_sum3A [1] : vector<10000x16xf32> to vector<10000xf32>
    %broadcast_in_dim3A = vector.shape_cast %reduce_sum3A_9 : vector<10000xf32> to vector<10000x1xf32>
    %add3A_10 = arith.constant 1.000000e+00 : f32
    %add3A_11 = vector.broadcast %add3A_10 : f32 to vector<10000x1xf32>
    %add3A_12 = arith.addf %broadcast_in_dim3A, %add3A_11 : vector<10000x1xf32>
    %rsqrt3A = math.rsqrt %add3A_12 : vector<10000x1xf32>
    %broadcast_in_dim3A_13 = vector.shape_cast %rsqrt3A : vector<10000x1xf32> to vector<10000x1xf32>
    %broadcast_in_dim3A_14 = vector.broadcast %broadcast_in_dim3A_13 : vector<10000x1xf32> to vector<10000x128xf32>
    %get3A_15 = arith.constant 0 : index
    %get3A_16 = arith.constant 0 : index
    %get3A_17 = vector.load %arg1[%get3A_15, %get3A_16] : memref<10000x256xf32, #tpu.memory_space<vmem>>, vector<10000x256xf32>
    %get3A_18 = arith.constant 0 : index
    %get3A_19 = arith.constant 0 : index
    %get3A_20 = vector.load %arg2[%get3A_18, %get3A_19] : memref<256x256xf32, #tpu.memory_space<vmem>>, vector<256x256xf32>
    %dot_general3A = arith.constant dense<0.000000e+00> : vector<10000x256xf32>
    %dot_general3A_21 = tpu.matmul %get3A_17, %get3A_20, %dot_general3A {dimension_numbers = #tpu.dot_dimension_numbers<[1], [0], [0], [1], [0, 0, 1, 1], [], []>, transpose_lhs_hint = false} : vector<10000x256xf32>, vector<256x256xf32>, vector<10000x256xf32> -> vector<10000x256xf32>
    %slice3A = vector.extract_strided_slice %dot_general3A_21 {offsets = [0, 0], sizes = [10000, 128], strides = [1, 1]} : vector<10000x256xf32> to vector<10000x128xf32>
    %mul3A = arith.mulf %slice3A, %broadcast_in_dim3A_14 : vector<10000x128xf32>
    %swap3A = arith.constant 0 : index
    %swap3A_22 = arith.constant 0 : index
    %swap3A_23 = arith.constant 0 : index
    %swap3A_24 = vector.load %arg3[%swap3A, %swap3A_22, %swap3A_23] : memref<2x10112x128xf32, #tpu.memory_space<vmem>>, vector<1x10000x128xf32>
    %swap3A_25 = vector.shape_cast %swap3A_24 : vector<1x10000x128xf32> to vector<10000x128xf32>
    %swap3A_26 = vector.shape_cast %mul3A : vector<10000x128xf32> to vector<1x10000x128xf32>
    tpu.vector_store %arg3[%swap3A, %swap3A_22, %swap3A_23], %swap3A_26 {strides = array<i32>} : memref<2x10112x128xf32, #tpu.memory_space<vmem>>, vector<1x10000x128xf32>,
    %slice3A_27 = vector.extract_strided_slice %dot_general3A_21 {offsets = [0, 128], sizes = [10000, 128], strides = [1, 1]} : vector<10000x256xf32> to vector<10000x128xf32>
    %mul3A_28 = arith.mulf %slice3A_27, %broadcast_in_dim3A_14 : vector<10000x128xf32>
    %swap3A_29 = arith.constant 1 : index
    %swap3A_30 = arith.constant 0 : index
    %swap3A_31 = arith.constant 0 : index
    %swap3A_32 = vector.load %arg3[%swap3A_29, %swap3A_30, %swap3A_31] : memref<2x10112x128xf32, #tpu.memory_space<vmem>>, vector<1x10000x128xf32>
    %swap3A_33 = vector.shape_cast %swap3A_32 : vector<1x10000x128xf32> to vector<10000x128xf32>
    %swap3A_34 = vector.shape_cast %mul3A_28 : vector<10000x128xf32> to vector<1x10000x128xf32>
    tpu.vector_store %arg3[%swap3A_29, %swap3A_30, %swap3A_31], %swap3A_34 {strides = array<i32>} : memref<2x10112x128xf32, #tpu.memory_space<vmem>>, vector<1x10000x128xf32>,
    %broadcast_in_dim3A_35 = arith.constant 0.000000e+00 : f32
    %broadcast_in_dim3A_36 = vector.broadcast %broadcast_in_dim3A_35 : f32 to vector<112x128xf32>
    %swap3A_37 = arith.constant 0 : index
    %swap3A_38 = arith.constant 10000 : index
    %swap3A_39 = arith.constant 0 : index
    %swap3A_40 = vector.load %arg3[%swap3A_37, %swap3A_38, %swap3A_39] : memref<2x10112x128xf32, #tpu.memory_space<vmem>>, vector<1x112x128xf32>
    %swap3A_41 = vector.shape_cast %swap3A_40 : vector<1x112x128xf32> to vector<112x128xf32>
    %swap3A_42 = vector.shape_cast %broadcast_in_dim3A_36 : vector<112x128xf32> to vector<1x112x128xf32>
    tpu.vector_store %arg3[%swap3A_37, %swap3A_38, %swap3A_39], %swap3A_42 {strides = array<i32>} : memref<2x10112x128xf32, #tpu.memory_space<vmem>>, vector<1x112x128xf32>,
    %swap3A_43 = arith.constant 1 : index
    %swap3A_44 = arith.constant 10000 : index
    %swap3A_45 = arith.constant 0 : index
    %swap3A_46 = vector.load %arg3[%swap3A_43, %swap3A_44, %swap3A_45] : memref<2x10112x128xf32, #tpu.memory_space<vmem>>, vector<1x112x128xf32>
    %swap3A_47 = vector.shape_cast %swap3A_46 : vector<1x112x128xf32> to vector<112x128xf32>
    %swap3A_48 = vector.shape_cast %broadcast_in_dim3A_36 : vector<112x128xf32> to vector<1x112x128xf32>
    tpu.vector_store %arg3[%swap3A_43, %swap3A_44, %swap3A_45], %swap3A_48 {strides = array<i32>} : memref<2x10112x128xf32, #tpu.memory_space<vmem>>, vector<1x112x128xf32>,
    return
  }
}

module attributes {stable_mosaic.version = 14 : i64} {
  func.func @_tc_b_body(%arg0: memref<2x10112x128xf32, #tpu.memory_space<vmem>>, %arg1: memref<2x10112x16xf32, #tpu.memory_space<vmem>>, %arg2: memref<256xf32, #tpu.memory_space<vmem>>, %arg3: memref<256x48xf32, #tpu.memory_space<vmem>>, %arg4: memref<10112x48xf32, #tpu.memory_space<vmem>>) attributes {dimension_semantics = [], scalar_prefetch = 0 : i64, scratch_operands = 0 : i64, tpu.core_type = #tpu.core_type<tc>} {
    %get3A = arith.constant 0 : index
    %get3A_0 = arith.constant 0 : index
    %get3A_1 = arith.constant 0 : index
    %get3A_2 = vector.load %arg1[%get3A, %get3A_0, %get3A_1] : memref<2x10112x16xf32, #tpu.memory_space<vmem>>, vector<1x10000x16xf32>
    %get3A_3 = vector.shape_cast %get3A_2 : vector<1x10000x16xf32> to vector<10000x16xf32>
    %get3A_4 = arith.constant 1 : index
    %get3A_5 = arith.constant 0 : index
    %get3A_6 = arith.constant 0 : index
    %get3A_7 = vector.load %arg1[%get3A_4, %get3A_5, %get3A_6] : memref<2x10112x16xf32, #tpu.memory_space<vmem>>, vector<1x10000x16xf32>
    %get3A_8 = vector.shape_cast %get3A_7 : vector<1x10000x16xf32> to vector<10000x16xf32>
    %add3A = arith.addf %get3A_3, %get3A_8 : vector<10000x16xf32>
    %reduce_sum3A = arith.constant dense<0.000000e+00> : vector<10000xf32>
    %reduce_sum3A_9 = vector.multi_reduction <add>, %add3A, %reduce_sum3A [1] : vector<10000x16xf32> to vector<10000xf32>
    %broadcast_in_dim3A = vector.shape_cast %reduce_sum3A_9 : vector<10000xf32> to vector<10000x1xf32>
    %add3A_10 = arith.constant 1.000000e+00 : f32
    %add3A_11 = vector.broadcast %add3A_10 : f32 to vector<10000x1xf32>
    %add3A_12 = arith.addf %broadcast_in_dim3A, %add3A_11 : vector<10000x1xf32>
    %rsqrt3A = math.rsqrt %add3A_12 : vector<10000x1xf32>
    %broadcast_in_dim3A_13 = vector.shape_cast %rsqrt3A : vector<10000x1xf32> to vector<10000x1xf32>
    %broadcast_in_dim3A_14 = vector.broadcast %broadcast_in_dim3A_13 : vector<10000x1xf32> to vector<10000x128xf32>
    %get3A_15 = arith.constant 0 : index
    %get3A_16 = arith.constant 0 : index
    %get3A_17 = arith.constant 0 : index
    %get3A_18 = vector.load %arg0[%get3A_15, %get3A_16, %get3A_17] : memref<2x10112x128xf32, #tpu.memory_space<vmem>>, vector<1x10000x128xf32>
    %get3A_19 = vector.shape_cast %get3A_18 : vector<1x10000x128xf32> to vector<10000x128xf32>
    %mul3A = arith.mulf %get3A_19, %broadcast_in_dim3A_14 : vector<10000x128xf32>
    %get3A_20 = arith.constant 1 : index
    %get3A_21 = arith.constant 0 : index
    %get3A_22 = arith.constant 0 : index
    %get3A_23 = vector.load %arg0[%get3A_20, %get3A_21, %get3A_22] : memref<2x10112x128xf32, #tpu.memory_space<vmem>>, vector<1x10000x128xf32>
    %get3A_24 = vector.shape_cast %get3A_23 : vector<1x10000x128xf32> to vector<10000x128xf32>
    %mul3A_25 = arith.mulf %get3A_24, %broadcast_in_dim3A_14 : vector<10000x128xf32>
    %concatenate3A = tpu.concatenate %mul3A, %mul3A_25 in 1 : vector<10000x128xf32>, vector<10000x128xf32> -> vector<10000x256xf32>
    %get3A_26 = arith.constant 0 : index
    %get3A_27 = vector.load %arg2[%get3A_26] : memref<256xf32, #tpu.memory_space<vmem>>, vector<256xf32>
    %broadcast_in_dim3A_28 = vector.shape_cast %get3A_27 : vector<256xf32> to vector<1x256xf32>
    %add3A_29 = vector.broadcast %broadcast_in_dim3A_28 : vector<1x256xf32> to vector<10000x256xf32>
    %add3A_30 = arith.addf %concatenate3A, %add3A_29 : vector<10000x256xf32>
    %max3A = arith.constant 0.000000e+00 : f32
    %max3A_31 = vector.broadcast %max3A : f32 to vector<10000x256xf32>
    %max3A_32 = arith.maximumf %add3A_30, %max3A_31 : vector<10000x256xf32>
    %get3A_33 = arith.constant 0 : index
    %get3A_34 = arith.constant 0 : index
    %get3A_35 = vector.load %arg3[%get3A_33, %get3A_34] : memref<256x48xf32, #tpu.memory_space<vmem>>, vector<256x48xf32>
    %dot_general3A = arith.constant dense<0.000000e+00> : vector<10000x48xf32>
    %dot_general3A_36 = tpu.matmul %max3A_32, %get3A_35, %dot_general3A {dimension_numbers = #tpu.dot_dimension_numbers<[1], [0], [0], [1], [0, 0, 1, 1], [], []>, transpose_lhs_hint = false} : vector<10000x256xf32>, vector<256x48xf32>, vector<10000x48xf32> -> vector<10000x48xf32>
    %slice3A = vector.extract_strided_slice %broadcast_in_dim3A_14 {offsets = [0, 0], sizes = [10000, 48], strides = [1, 1]} : vector<10000x128xf32> to vector<10000x48xf32>
    %mul3A_37 = arith.mulf %dot_general3A_36, %slice3A : vector<10000x48xf32>
    %swap3A = arith.constant 0 : index
    %swap3A_38 = arith.constant 0 : index
    %swap3A_39 = vector.load %arg4[%swap3A, %swap3A_38] : memref<10112x48xf32, #tpu.memory_space<vmem>>, vector<10000x48xf32>
    tpu.vector_store %arg4[%swap3A, %swap3A_38], %mul3A_37 {strides = array<i32>} : memref<10112x48xf32, #tpu.memory_space<vmem>>, vector<10000x48xf32>,
    %broadcast_in_dim3A_40 = arith.constant 0.000000e+00 : f32
    %broadcast_in_dim3A_41 = vector.broadcast %broadcast_in_dim3A_40 : f32 to vector<112x48xf32>
    %swap3A_42 = arith.constant 10000 : index
    %swap3A_43 = arith.constant 0 : index
    %swap3A_44 = vector.load %arg4[%swap3A_42, %swap3A_43] : memref<10112x48xf32, #tpu.memory_space<vmem>>, vector<112x48xf32>
    tpu.vector_store %arg4[%swap3A_42, %swap3A_43], %broadcast_in_dim3A_41 {strides = array<i32>} : memref<10112x48xf32, #tpu.memory_space<vmem>>, vector<112x48xf32>,
    return
  }
}

module attributes {stable_mosaic.version = 14 : i64} {
  func.func @_tc_c_body(%arg0: memref<2x10112x48xf32, #tpu.memory_space<vmem>>, %arg1: memref<10112x48xf32, #tpu.memory_space<vmem>>, %arg2: memref<2x10112x16xf32, #tpu.memory_space<vmem>>, %arg3: memref<48xf32, #tpu.memory_space<vmem>>, %arg4: memref<10000x48xf32, #tpu.memory_space<vmem>>) attributes {dimension_semantics = [], scalar_prefetch = 0 : i64, scratch_operands = 0 : i64, tpu.core_type = #tpu.core_type<tc>} {
    %get3A = arith.constant 0 : index
    %get3A_0 = arith.constant 0 : index
    %get3A_1 = arith.constant 0 : index
    %get3A_2 = vector.load %arg0[%get3A, %get3A_0, %get3A_1] : memref<2x10112x48xf32, #tpu.memory_space<vmem>>, vector<1x10000x48xf32>
    %get3A_3 = vector.shape_cast %get3A_2 : vector<1x10000x48xf32> to vector<10000x48xf32>
    %get3A_4 = arith.constant 1 : index
    %get3A_5 = arith.constant 0 : index
    %get3A_6 = arith.constant 0 : index
    %get3A_7 = vector.load %arg0[%get3A_4, %get3A_5, %get3A_6] : memref<2x10112x48xf32, #tpu.memory_space<vmem>>, vector<1x10000x48xf32>
    %get3A_8 = vector.shape_cast %get3A_7 : vector<1x10000x48xf32> to vector<10000x48xf32>
    %add3A = arith.addf %get3A_3, %get3A_8 : vector<10000x48xf32>
    %get3A_9 = arith.constant 0 : index
    %get3A_10 = arith.constant 0 : index
    %get3A_11 = vector.load %arg1[%get3A_9, %get3A_10] : memref<10112x48xf32, #tpu.memory_space<vmem>>, vector<10000x48xf32>
    %sub3A = arith.subf %add3A, %get3A_11 : vector<10000x48xf32>
    %get3A_12 = arith.constant 0 : index
    %get3A_13 = arith.constant 0 : index
    %get3A_14 = arith.constant 0 : index
    %get3A_15 = vector.load %arg2[%get3A_12, %get3A_13, %get3A_14] : memref<2x10112x16xf32, #tpu.memory_space<vmem>>, vector<1x10000x16xf32>
    %get3A_16 = vector.shape_cast %get3A_15 : vector<1x10000x16xf32> to vector<10000x16xf32>
    %get3A_17 = arith.constant 1 : index
    %get3A_18 = arith.constant 0 : index
    %get3A_19 = arith.constant 0 : index
    %get3A_20 = vector.load %arg2[%get3A_17, %get3A_18, %get3A_19] : memref<2x10112x16xf32, #tpu.memory_space<vmem>>, vector<1x10000x16xf32>
    %get3A_21 = vector.shape_cast %get3A_20 : vector<1x10000x16xf32> to vector<10000x16xf32>
    %add3A_22 = arith.addf %get3A_16, %get3A_21 : vector<10000x16xf32>
    %reduce_sum3A = arith.constant dense<0.000000e+00> : vector<10000xf32>
    %reduce_sum3A_23 = vector.multi_reduction <add>, %add3A_22, %reduce_sum3A [1] : vector<10000x16xf32> to vector<10000xf32>
    %broadcast_in_dim3A = vector.shape_cast %reduce_sum3A_23 : vector<10000xf32> to vector<10000x1xf32>
    %add3A_24 = arith.constant 1.000000e+00 : f32
    %add3A_25 = vector.broadcast %add3A_24 : f32 to vector<10000x1xf32>
    %add3A_26 = arith.addf %broadcast_in_dim3A, %add3A_25 : vector<10000x1xf32>
    %rsqrt3A = math.rsqrt %add3A_26 : vector<10000x1xf32>
    %broadcast_in_dim3A_27 = vector.shape_cast %rsqrt3A : vector<10000x1xf32> to vector<10000x1xf32>
    %broadcast_in_dim3A_28 = vector.broadcast %broadcast_in_dim3A_27 : vector<10000x1xf32> to vector<10000x48xf32>
    %mul3A = arith.mulf %sub3A, %broadcast_in_dim3A_28 : vector<10000x48xf32>
    %get3A_29 = arith.constant 0 : index
    %get3A_30 = vector.load %arg3[%get3A_29] : memref<48xf32, #tpu.memory_space<vmem>>, vector<48xf32>
    %broadcast_in_dim3A_31 = vector.shape_cast %get3A_30 : vector<48xf32> to vector<1x48xf32>
    %add3A_32 = vector.broadcast %broadcast_in_dim3A_31 : vector<1x48xf32> to vector<10000x48xf32>
    %add3A_33 = arith.addf %mul3A, %add3A_32 : vector<10000x48xf32>
    %swap3A = arith.constant 0 : index
    %swap3A_34 = arith.constant 0 : index
    %swap3A_35 = vector.load %arg4[%swap3A, %swap3A_34] : memref<10000x48xf32, #tpu.memory_space<vmem>>, vector<10000x48xf32>
    tpu.vector_store %arg4[%swap3A, %swap3A_34], %add3A_33 {strides = array<i32>} : memref<10000x48xf32, #tpu.memory_space<vmem>>, vector<10000x48xf32>,
    return
  }
}

module attributes {stable_mosaic.version = 14 : i64} {
  func.func @_tc_d_body(%arg0: memref<16384x48xf32, #tpu.memory_space<vmem>>, %arg1: memref<48x4xf32, #tpu.memory_space<vmem>>, %arg2: memref<48x32xf32, #tpu.memory_space<vmem>>, %arg3: memref<4x32xf32, #tpu.memory_space<vmem>>, %arg4: memref<32x4xf32, #tpu.memory_space<vmem>>, %arg5: memref<1x32xf32, #tpu.memory_space<vmem>>, %arg6: memref<8192xf32, #tpu.memory_space<vmem>>) attributes {dimension_semantics = [], scalar_prefetch = 0 : i64, scratch_operands = 0 : i64, tpu.core_type = #tpu.core_type<tc>} {
    %get3A = arith.constant 0 : index
    %get3A_0 = arith.constant 0 : index
    %get3A_1 = vector.load %arg0[%get3A, %get3A_0] : memref<16384x48xf32, #tpu.memory_space<vmem>>, vector<8192x48xf32>
    %get3A_2 = arith.constant 8192 : index
    %get3A_3 = arith.constant 0 : index
    %get3A_4 = vector.load %arg0[%get3A_2, %get3A_3] : memref<16384x48xf32, #tpu.memory_space<vmem>>, vector<8192x48xf32>
    %mul3A = arith.mulf %get3A_4, %get3A_4 : vector<8192x48xf32>
    %get3A_5 = arith.constant 0 : index
    %get3A_6 = arith.constant 0 : index
    %get3A_7 = vector.load %arg1[%get3A_5, %get3A_6] : memref<48x4xf32, #tpu.memory_space<vmem>>, vector<48x4xf32>
    %dot_general3A = arith.constant dense<0.000000e+00> : vector<8192x4xf32>
    %dot_general3A_8 = tpu.matmul %mul3A, %get3A_7, %dot_general3A {dimension_numbers = #tpu.dot_dimension_numbers<[1], [0], [0], [1], [0, 0, 1, 1], [], []>, transpose_lhs_hint = false} : vector<8192x48xf32>, vector<48x4xf32>, vector<8192x4xf32> -> vector<8192x4xf32>
    %mul3A_9 = arith.mulf %get3A_1, %get3A_4 : vector<8192x48xf32>
    %get3A_10 = arith.constant 0 : index
    %get3A_11 = arith.constant 0 : index
    %get3A_12 = vector.load %arg1[%get3A_10, %get3A_11] : memref<48x4xf32, #tpu.memory_space<vmem>>, vector<48x4xf32>
    %dot_general3A_13 = arith.constant dense<0.000000e+00> : vector<8192x4xf32>
    %dot_general3A_14 = tpu.matmul %mul3A_9, %get3A_12, %dot_general3A_13 {dimension_numbers = #tpu.dot_dimension_numbers<[1], [0], [0], [1], [0, 0, 1, 1], [], []>, transpose_lhs_hint = false} : vector<8192x48xf32>, vector<48x4xf32>, vector<8192x4xf32> -> vector<8192x4xf32>
    %get3A_15 = arith.constant 0 : index
    %get3A_16 = arith.constant 0 : index
    %get3A_17 = vector.load %arg2[%get3A_15, %get3A_16] : memref<48x32xf32, #tpu.memory_space<vmem>>, vector<48x32xf32>
    %dot_general3A_18 = arith.constant dense<0.000000e+00> : vector<8192x32xf32>
    %dot_general3A_19 = tpu.matmul %get3A_1, %get3A_17, %dot_general3A_18 {dimension_numbers = #tpu.dot_dimension_numbers<[1], [0], [0], [1], [0, 0, 1, 1], [], []>, transpose_lhs_hint = false} : vector<8192x48xf32>, vector<48x32xf32>, vector<8192x32xf32> -> vector<8192x32xf32>
    %mul3A_20 = arith.constant 2.000000e+00 : f32
    %mul3A_21 = vector.broadcast %mul3A_20 : f32 to vector<8192x4xf32>
    %mul3A_22 = arith.mulf %mul3A_21, %dot_general3A_14 : vector<8192x4xf32>
    %sub3A = arith.subf %dot_general3A_8, %mul3A_22 : vector<8192x4xf32>
    %get3A_23 = arith.constant 0 : index
    %get3A_24 = arith.constant 0 : index
    %get3A_25 = vector.load %arg3[%get3A_23, %get3A_24] : memref<4x32xf32, #tpu.memory_space<vmem>>, vector<4x32xf32>
    %dot_general3A_26 = arith.constant dense<0.000000e+00> : vector<8192x32xf32>
    %dot_general3A_27 = tpu.matmul %sub3A, %get3A_25, %dot_general3A_26 {dimension_numbers = #tpu.dot_dimension_numbers<[1], [0], [0], [1], [0, 0, 1, 1], [], []>, transpose_lhs_hint = false} : vector<8192x4xf32>, vector<4x32xf32>, vector<8192x32xf32> -> vector<8192x32xf32>
    %mul3A_28 = arith.constant 2.000000e+00 : f32
    %mul3A_29 = vector.broadcast %mul3A_28 : f32 to vector<8192x32xf32>
    %mul3A_30 = arith.mulf %mul3A_29, %dot_general3A_19 : vector<8192x32xf32>
    %add3A = arith.addf %dot_general3A_27, %mul3A_30 : vector<8192x32xf32>
    %get3A_31 = arith.constant 0 : index
    %get3A_32 = arith.constant 0 : index
    %get3A_33 = vector.load %arg5[%get3A_31, %get3A_32] : memref<1x32xf32, #tpu.memory_space<vmem>>, vector<1x32xf32>
    %sub3A_34 = vector.broadcast %get3A_33 : vector<1x32xf32> to vector<8192x32xf32>
    %sub3A_35 = arith.subf %add3A, %sub3A_34 : vector<8192x32xf32>
    %min3A = arith.constant 6.000000e+01 : f32
    %min3A_36 = vector.broadcast %min3A : f32 to vector<8192x32xf32>
    %min3A_37 = arith.minimumf %sub3A_35, %min3A_36 : vector<8192x32xf32>
    %exp3A = math.exp %min3A_37 : vector<8192x32xf32>
    %get3A_38 = arith.constant 0 : index
    %get3A_39 = arith.constant 0 : index
    %get3A_40 = vector.load %arg4[%get3A_38, %get3A_39] : memref<32x4xf32, #tpu.memory_space<vmem>>, vector<32x4xf32>
    %dot_general3A_41 = arith.constant dense<0.000000e+00> : vector<8192x4xf32>
    %dot_general3A_42 = tpu.matmul %exp3A, %get3A_40, %dot_general3A_41 {dimension_numbers = #tpu.dot_dimension_numbers<[1], [0], [0], [1], [0, 0, 1, 1], [], []>, transpose_lhs_hint = false} : vector<8192x32xf32>, vector<32x4xf32>, vector<8192x4xf32> -> vector<8192x4xf32>
    %add3A_43 = arith.constant 1.000000e+00 : f32
    %add3A_44 = vector.broadcast %add3A_43 : f32 to vector<8192x4xf32>
    %add3A_45 = arith.addf %add3A_44, %dot_general3A_42 : vector<8192x4xf32>
    %div3A = arith.constant 1.000000e+00 : f32
    %div3A_46 = vector.broadcast %div3A : f32 to vector<8192x4xf32>
    %div3A_47 = arith.divf %div3A_46, %add3A_45 : vector<8192x4xf32>
    %reduce_sum3A = arith.constant dense<0.000000e+00> : vector<8192xf32>
    %reduce_sum3A_48 = vector.multi_reduction <add>, %div3A_47, %reduce_sum3A [1] : vector<8192x4xf32> to vector<8192xf32>
    %mul3A_49 = arith.constant 2.500000e-01 : f32
    %mul3A_50 = vector.broadcast %mul3A_49 : f32 to vector<8192xf32>
    %mul3A_51 = arith.mulf %reduce_sum3A_48, %mul3A_50 : vector<8192xf32>
    %swap3A = arith.constant 0 : index
    %swap3A_52 = vector.load %arg6[%swap3A] : memref<8192xf32, #tpu.memory_space<vmem>>, vector<8192xf32>
    tpu.vector_store %arg6[%swap3A], %mul3A_51 {strides = array<i32>} : memref<8192xf32, #tpu.memory_space<vmem>>, vector<8192xf32>,
    return
  }
}

</mosaic_0001>

<sc_bundles>
// kernel: kernel.10.cloned.1.call-start
scs
__scs_entry_jumppad:
0x0: {  	(pc) =	sbr.rel $0x88, $3  }
0x1: {  	(tag) =	ssettag $0x0;
	lr =	simm.s32 $0x1  }
0x2: {  	[smem:$0x3F99] =	sst lr;
	_ =	strace $0xD0000000  }
0x3: {  	_ = 	snop  }
0x4: {  	_ = 	snop  }
0x5: {  	_ = 	snop  }
0x6: {  	_ = 	snop  }
0x7: {  	_ = 	snop  }
__scs_overlays_trampoline_lowered:
0x8: {  	[smem:$0x3FA8] =	sst s0  }
0x9: {  	[smem:$0x3FA9] =	sst s1  }
0xa: {  	[smem:$0x3FAA] =	sst s2  }
0xb: {  	[smem:$0x3FAB] =	sst s3  }
0xc: {  	[smem:$0x3FAC] =	sst s4  }
0xd: {  	[smem:$0x3FAD] =	sst s5  }
0xe: {  	[smem:$0x3FAE] =	sst s6  }
0xf: {  	[smem:$0x3FAF] =	sst s7  }
0x10: {  	[smem:$0x3FB0] =	sst s8  }
0x11: {  	[smem:$0x3FB1] =	sst s9;
	s0 =	simm.s32 @!p0 $0x0  }
0x12: {  	s1 =	sld [smem:$0x3F97];
	s0 =	simm.s32 @p0 $0x1  }
0x13: {  	[smem:$0x3FB2] =	sst s0;
	s0 =	simm.s32 @!p1 $0x0  }
0x14: {  	s2 =	sld [smem:$0x3F96];
	s0 =	simm.s32 @p1 $0x1  }
0x15: {  	[smem:$0x3FB3] =	sst s0;
	s0 =	simm.s32 @!p2 $0x0  }
0x16: {  	s3 =	sld [smem:$0x3FDB];
	s0 =	simm.s32 @p2 $0x1  }
0x17: {  	s4 =	simm.s32 $0x1BF5;
	[smem:$0x3FB5] =	sst s0  }
0x18: {  	s0 =	sld [smem:$0x3F98];
	_ =	swait.ge [sflag:s4], $0x0  }
0x19: {  	s7 =	sld [smem:$0x3F99]  }
0x1a: {  	s8 =	sadd.s32 $0xFFFFE003, lr  }
0x1b: {  	s9 =	sadd.s32 $0xFFFFFEF7, lr;
	s5 =	simm.s32 $0xFFFFFFFF;
	p2 =	slt.u32 s8, $0xFFFFF086  }
0x1c: {  	p1 =	slt.u32 s9, $0xF7A;
	s5 =	simm.s32 @!p2 $0x0  }
0x1d: {  	s5 =	simm.s32 @p1 $0x1;
	p0 =	seq.s32 s7, s2  }
0x1e: {  	s7 =	smul.u32 @!p0 $0xF7A, s2;
	p2 =	seq.s32 @!p0 s5, $0x0  }
0x1f: {  	s9 =	smul.u32 $0xF7A, s1;
	s8 =	simm.s32 @!p0 $0x1BF5;
	p2 =	por !p2, p0  }
0x20: {  	[sflag:s8] =	ssyncset.s32 @!p0 $0xFFFFF086;
	s6 =	sadd.s32 @!p0 s3, s7;
	s7 =	simm.s32 @!p0 $0x108  }
0x21: {  	s3 =	sadd.s32 s3, s9;
	s6 =	sadd.s32 @!p0 $0x88, s6;
	s7 =	simm.s32 @p2 $0x1082  }
0x22: {  	[simem:s7], [sflag:s8] =	dma.local @!p0 [hbm:s6], $0xF7A  }
0x23: {  	s9 =	sor.u32 $0xD0000000, s2;
	s6 =	simm.s32 $0x108;
	_ =	swait.ge @!p0 [sflag:s8], $0x0  }
0x24: {  	s3 =	sadd.s32 $0x88, s3;
	s6 =	simm.s32 @!p1 $0x1082;
	[sflag:s4] =	ssyncset.s32 $0xFFFFF086  }
0x25: {  	[simem:s6], [sflag:s4] =	dma.local [hbm:s3], $0xF7A  }
0x26: {  	[smem:$0x3F99] =	sst s1;
	(tag) =	ssettag s2;
	_ =	strace s9  }
0x27: {  	s1 =	sld [smem:$0x3FA9]  }
0x28: {  	s2 =	sld [smem:$0x3FAA]  }
0x29: {  	s4 =	sld [smem:$0x3FAC]  }
0x2a: {  	p0 =	seq.s32 s5, $0x0;
	s5 =	sld [smem:$0x3FAD]  }
0x2b: {  	s6 =	sld [smem:$0x3FAE]  }
0x2c: {  	s7 =	sld [smem:$0x3FAF]  }
0x2d: {  	s3 =	simm.s32 $0x108;
	s8 =	sld [smem:$0x3FB0]  }
0x2e: {  	s3 =	simm.s32 @!p0 $0x1082;
	s9 =	sld [smem:$0x3FB1]  }
0x2f: {  	lr =	sadd.s32 s0, s3;
	s0 =	sld [smem:$0x3FA8]  }
0x30: {  	s3 =	sld [smem:$0x3FAB]  }
0x31: {  	[smem:$0x3FB4] =	sst s10  }
0x32: {  	s10 =	sld [smem:$0x3FB2];
	_ =	sdelay $0x3  }
0x33: {  	p0 =	seq.s32 s10, $0x1;
	s10 =	sld [smem:$0x3FB4];
	_ =	sdelay $0x3  }
0x34: {  	[smem:$0x3FB4] =	sst s10  }
0x35: {  	s10 =	sld [smem:$0x3FB3];
	_ =	sdelay $0x3  }
0x36: {  	p1 =	seq.s32 s10, $0x1;
	s10 =	sld [smem:$0x3FB4];
	_ =	sdelay $0x3  }
0x37: {  	[smem:$0x3FB4] =	sst s10  }
0x38: {  	s10 =	sld [smem:$0x3FB5]  }
0x39: {  	_ = 	snop;
	(pc) =	sbr.ind lr, $3  }
0x3a: {  	_ = 	snop  }
0x3b: {  	_ = 	snop  }
0x3c: {  	p2 =	seq.s32 s10, $0x1;
	s10 =	sld [smem:$0x3FB4]  }
0x3d: {  	_ =	shalt  }
0x3e: {  	_ =	shalt  }
0x3f: {  	_ =	shalt  }
0x40: {  	_ =	shalt  }
0x41: {  	_ =	shalt  }
0x42: {  	_ =	shalt  }
0x43: {  	_ =	shalt  }
0x44: {  	_ =	shalt  }
0x45: {  	_ =	shalt  }
0x46: {  	_ =	shalt  }
0x47: {  	_ =	shalt  }
0x48: {  	_ =	shalt  }
0x49: {  	_ =	shalt  }
0x4a: {  	_ =	shalt  }
0x4b: {  	_ =	shalt  }
0x4c: {  	_ =	shalt  }
0x4d: {  	_ =	shalt  }
0x4e: {  	_ =	shalt  }
0x4f: {  	_ =	shalt  }
0x50: {  	_ =	shalt  }
0x51: {  	_ =	shalt  }
0x52: {  	_ =	shalt  }
0x53: {  	_ =	shalt  }
0x54: {  	_ =	shalt  }
0x55: {  	_ =	shalt  }
0x56: {  	_ =	shalt  }
0x57: {  	_ =	shalt  }
0x58: {  	_ =	shalt  }
0x59: {  	_ =	shalt  }
0x5a: {  	_ =	shalt  }
0x5b: {  	_ =	shalt  }
0x5c: {  	_ =	shalt  }
0x5d: {  	_ =	shalt  }
0x5e: {  	_ =	shalt  }
0x5f: {  	_ =	shalt  }
0x60: {  	_ =	shalt  }
0x61: {  	_ =	shalt  }
0x62: {  	_ =	shalt  }
0x63: {  	_ =	shalt  }
0x64: {  	_ =	shalt  }
0x65: {  	_ =	shalt  }
0x66: {  	_ =	shalt  }
0x67: {  	_ =	shalt  }
0x68: {  	_ =	shalt  }
0x69: {  	_ =	shalt  }
0x6a: {  	_ =	shalt  }
0x6b: {  	_ =	shalt  }
0x6c: {  	_ =	shalt  }
0x6d: {  	_ =	shalt  }
0x6e: {  	_ =	shalt  }
0x6f: {  	_ =	shalt  }
0x70: {  	_ =	shalt  }
0x71: {  	_ =	shalt  }
0x72: {  	_ =	shalt  }
0x73: {  	_ =	shalt  }
0x74: {  	_ =	shalt  }
0x75: {  	_ =	shalt  }
0x76: {  	_ =	shalt  }
0x77: {  	_ =	shalt  }
0x78: {  	_ =	shalt  }
0x79: {  	_ =	shalt  }
0x7a: {  	_ =	shalt  }
0x7b: {  	_ =	shalt  }
0x7c: {  	_ =	shalt  }
0x7d: {  	_ =	shalt  }
0x7e: {  	_ =	shalt  }
0x7f: {  	_ =	shalt  }
0x80: {  	_ =	shalt  }
0x81: {  	_ =	shalt  }
0x82: {  	_ =	shalt  }
0x83: {  	_ =	shalt  }
0x84: {  	_ =	shalt  }
0x85: {  	_ =	shalt  }
0x86: {  	_ =	shalt  }
0x87: {  	_ =	shalt  }
.Lfunc_end0:
.L_simem_size_0:
called_computation_lowered:
.L_overlay_start_0:
0x88: {  	s2 =	sld [smem:$0x3FD9]  }
0x89: {  	s3 =	sld [smem:$0x3FFE];
	_ =	sdelay $0x1  }
0x8a: {  	s1 =	srdreg.scid  }
0x8b: {  	s0 =	sand.u32 $0x1, s1  }
0x8c: {  	s16 =	sshll.u32 s0, $0xA;
	s2 =	sadd.s32 s3, s2  }
0x8d: {  	s2 =	sadd.s32 s2, s16  }
0x8e: {  	[smem:$0x3FC0] =	sst s2  }
0x8f: {  	_ = 	snop  }
0x90: {  	(tm) =	ssettm $0x1  }
0x91: {  	s17 =	sld [smem:$0x3FFB];
	_ =	sdelay $0x3  }
0x92: {  	_ =	strace s17  }
0x93: {  	s2 =	sld [smem:$0x3FFC];
	_ =	sdelay $0x3  }
0x94: {  	_ =	strace s2  }
0x95: {  	s2 =	sld [smem:$0x3FFD];
	_ =	sdelay $0x3  }
0x96: {  	_ =	strace s2  }
0x97: {  	_ =	strace $0x8FFFFFFF  }
0x98: {  	s18 =	sld [smem:$0x3FDB];
	_ =	sdelay $0x1  }
0x99: {  	s19 =	simm.s32 $_scs_section_size  }
0x9a: {  	s4 =	simm.s32 $_size__tile_overlayer_lowered;
	s5 =	simm.s32 $_tile_overlayer_lowered  }
0x9b: {  	s22 =	simm.s32 $0x1BFF;
	s21 =	sshll.u32 s5, $0x1;
	s2 =	sadd.s32 s19, s18  }
0x9c: {  	s6 =	simm.s32 $0x0;
	s20 =	sshll.u32 s4, $0x1;
	s4 =	sadd.s32 s21, s2  }
0x9d: {  	[timem:s6], [sflag:s22] =	dma.local [hbm:s4], s20  }
0x9e: {  	_ =	swait.ge [sflag:s22], s20  }
0x9f: {  	s3 =	ssub.s32 $0x0, s20;
	[sflag:s22] =	ssyncset.done $0x0  }
0xa0: {  	[sflag:s22] =	ssyncadd.s32 s3;
	_ =	sdelay $0x1  }
0xa1: {  	s23 =	simm.s32 $0x1B8B  }
0xa2: {  	_ =	swait.ge [sflag:s23], $0x1  }
0xa3: {  	[sflag:s23] =	ssyncset.done $0x0  }
0xa4: {  	s25 =	simm.s32 $0x1B8E;
	s24 =	sld [smem:$0x3FFE];
	[sflag:s23] =	ssyncadd.s32 $0xFFFFFFFF  }
0xa5: {  	s26 =	simm.s32 $execute0_lowered;
	[smem:$0x3FD2] =	sst s25  }
0xa6: {  	s4 =	sshll.u32 s26, $0x1;
	_ =	strace $0x80000046;
	[dreg:$0x1] =	wrdreg $0xFFFFFFFF  }
0xa7: {  	s28 =	simm.s32 $_size_execute0_lowered;
	s2 =	sadd.s32 s2, s4;
	[dreg:$0x0] =	wrdreg $0x0  }
0xa8: {  	s4 =	sshll.u32 s28, $0x1;
	[dreg:$0x2] =	wrdreg s2  }
0xa9: {  	[dreg:$0x3] =	wrdreg s4  }
0xaa: {  	[dreg:$0x4] =	wrdreg $0xC0  }
0xab: {  	_ =	task [dreg:s6], $0x5FFFF  }
0xac: {  	[dreg:$0x1] =	wrdreg $0xFFFFFFFF  }
0xad: {  	[dreg:$0x0] =	wrdreg $0x60  }
0xae: {  	[dreg:$0x2] =	wrdreg s24  }
0xaf: {  	[dreg:$0x3] =	wrdreg $0x1C000  }
0xb0: {  	[dreg:$0x4] =	wrdreg $0x9  }
0xb1: {  	_ =	task.clear_ibuf [dreg:s6], $0x5FFFF;
	_ =	strace $0x90000046  }
0xb2: {  	s29 =	simm.s32 $0x9;
	_ =	strace $0x80000048  }
0xb3: {  	_ =	swait.ge [sflag:s29], $0x1  }
0xb4: {  	[sflag:s29] =	ssyncadd.s32 $0xFFFFFFFF  }
0xb5: {  	_ =	strace $0x90000048  }
0xb6: {  	_ =	sfence  }
0xb7: {  	s30 =	sld [smem:$0x0];
	_ =	sdelay $0x2  }
0xb8: {  	s31 =	sshll.u32 s1, $0xD;
	s1 =	sshrl.u32 s1, $0x2  }
0xb9: {  	s3 =	sand.u32 $0x4000, s31;
	s1 =	sadd.s32 s1, s30  }
0xba: {  	s0 =	sor.u32 s3, s0;
	s1 =	sshll.u32 s1, $0x11  }
0xbb: {  	s0 =	sor.u32 s1, s0  }
0xbc: {  	s0 =	sadd.s32 $0x8F2B, s0  }
0xbd: {  	[sflag:s0] =	ssyncadd.remote.s32 $0x1  }
0xbe: {  	_ =	sfence.sel $0xFFFF  }
0xbf: {  	[dreg:$0x0] =	wrdreg $0xFFFFFFFF;
	(pc) =	sbr.abs _section_cstart, $3  }
0xc0: {  	[dreg:$0x1] =	wrdreg $0xFFFFFFFF  }
0xc1: {  	_ =	task.clear_ibuf [dreg:s6], $0x2FFFF;
	_ =	strace $0x9FFFFFFF  }
0xc2: {  	(tm) =	ssettm $0x7FFFFFFF  }
0xc3: {  	_ =	shalt  }
tec
execute0_lowered:
.L_overlay_start_1:
0x0: {  	(tag) =	ssettag $0x1  }
0x1: {  	s5 =	rddreg [dreg:$0x0]  }
0x2: {  	s0 =	srdreg.scid;
	s2 =	rddreg [dreg:$0x1]  }
0x3: {  	s3 =	simm.s32 $0x0;
	s4 =	sand.u32 $0x1, s0;
	s0 =	stileid.u32  }
0x4: {  	[smem:$0x7FF] =	sst s3;
	s1 =	sshll.u32 s4, $0x4;
	s7 =	smul.u32 $0x2780, s0  }
0x5: {  	s8 =	smul.u32 $0x4F00, s4;
	s4 =	ssub.s32 $0x2, s4;
	s31 =	sshll.u32 s0, $0x6  }
0x6: {  	s6 =	sor.u32 s0, s1;
	s1 =	rddreg [dreg:$0x2];
	_ =	strace $0x80000047  }
0x7: {  	s9 =	sshrl.u32 s4, $0x1;
	s6 =	smul.u32 $0x280, s6;
	s12 =	sshrl.u32 s7, $0x3  }
0x8: {  	s8 =	sadd.s32 s8, s5;
	s9 =	ssub.s32 s4, s9;
	s11 =	sadd.s32 s7, s2  }
0x9: {  	s10 =	sadd.s32 s12, s5;
	s13 =	sadd.s32 $0x11600, s8;
	s7 =	smax.u32 s9, $0x1  }
0xa: {  	s8 =	sshrl.u32 s11, $0x3;
	s9 =	simm.s32 $0x1;
	s11 =	simm.s32 $0x1400  }
0xb: {  	v0 =	vimm.f32 $0.0e+00;
	vm0 =	vcmask $0x300;
	s6 =	sadd.s32 s6, s5;
	s4 =	sadd.s32 $0xC600, s10;
	s5 =	sor.u32 $0x1C01, s31  }
0xc: {  	v0 =	vsel vm0, $0x3F800000, v0;
	s10 =	simm.s32 $0x80;
	s12 =	sadd.s32 s12, s13;
	s6 =	sadd.s32 $0x2600, s6  }
.LBB2_1:
0xd: {  	[spmem:s8], [sflag:s5] =	dma.local [hbm:s4], $0x4F0  }
0xe: {  	_ =	swait.ge [sflag:s9], $0x4F0  }
0xf: {  	[sflag:s9] =	ssyncset.done $0x0  }
0x10: {  	s13 =	simm.s32 $0x40;
	s14 =	simm.s32 $0x0;
	[sflag:s9] =	ssyncadd.s32 $0xFFFFFB10  }
.LBB2_2:
0x11: {  	p0 =	sne.s32 s13, $0x1FC0;
	[tilespmem:s14+$0x1400] =	vst v0;
	s14 =	smov.u32 s13;
	s13 =	sadd.s32 $0x40, s13  }
.Ltmp0:
0x12: {  	(pc) =	sbr.rel @p0 .LBB2_2-.Ltmp0, $2  }
0x13: {  	_ =	sdelay $0x2  }
0x14: {  	s14 =	sshra.s32 s14, $0x2  }
0x15: {  	[tilespmem:s14+$0x1400] =	vst v0;
	s13 =	simm.s32 $0x0  }
0x16: {  	[tilespmem:s13], [sflag:$0x1] =	stream.linear.gather [hbm4b:s6+s13], $0x1400, $0x38;
	[tilespmem:$0x4380] =	vst v63  }
0x17: {  	_ =	swait.ge [sflag:s9], $0x1400  }
0x18: {  	[sflag:s9] =	ssyncset.done $0x0  }
0x19: {  	[sflag:s9] =	ssyncadd.s32 $0xFFFFEC00  }
0x1a: {  	s31 =	simm.s32 $0x0;
	[bflag:$0x0] =	sbarrier.arrive $0xFFFF  }
0x1b: {  	[spmem:s2] =	stream.indirect.scatter.add.f32 [tilespmem:s11], [sflag:$0x1], $0x10, s31, s10, $0xb8;
	[tilespmem:$0x4380] =	vst v63  }
0x1c: {  	_ =	swait.ge [sflag:s9], $0x800  }
0x1d: {  	s13 =	simm.s32 $0x200;
	[sflag:s9] =	ssyncset.done $0x0  }
.LBB2_4:
0x1e: {  	s14 =	sshra.s32 s13, $0x2;
	[sflag:s9] =	ssyncadd.s32 $0xFFFFF800;
	p0 =	sne.s32 s13, $0x4E00  }
0x1f: {  	[spmem:s2] =	stream.indirect.scatter.add.f32 [tilespmem:s11], [sflag:$0x1], $0x10, s14, s10, $0xb8;
	[tilespmem:$0x4380] =	vst v63  }
.Ltmp1:
0x20: {  	_ = 	snop;
	(pc) =	sbr.rel @p0 .LBB2_4-.Ltmp1, $4  }
0x21: {  	_ = 	snop  }
0x22: {  	s13 =	sadd.s32 $0x200, s13  }
0x23: {  	_ =	swait.ge [sflag:s9], $0x800  }
0x24: {  	[sflag:s9] =	ssyncset.done $0x0  }
0x25: {  	s3 =	sadd.s32 $0x1, s3  }
0x26: {  	[sflag:s9] =	ssyncadd.s32 $0xFFFFF800;
	p0 =	sne.s32 s3, s7  }
.Ltmp2:
0x27: {  	[bflag:$0x0] =	sbarrier.arrive $0xFFFF;
	(pc) =	sbr.rel @p0 .LBB2_1-.Ltmp2, $4  }
0x28: {  	[hbm:s12], [sflag:s5] =	dma.local [spmem:s8], $0x4F0  }
0x29: {  	_ =	swait.ge [sflag:s9], $0x4F0  }
0x2a: {  	[sflag:s9] =	ssyncset.done $0x0  }
0x2b: {  	[sflag:s9] =	ssyncadd.s32 $0xFFFFFB10  }
0x2c: {  	_ =	sfence.sel $0x180000  }
0x2d: {  	[bflag:$0x0] =	sbarrier.arrive $0xFFFF  }
0x2e: {  	p0 =	sne.s32 s0, $0x0;
	_ =	strace $0x90000047  }
0x2f: {  	s0 =	sadd.s32 @!p0 $0x100000, s1;
	[bflag:$0x2] =	sbarrier.arrive $0xFFFF  }
0x30: {  	[sflag:s0] =	ssyncadd.tile.s32 @!p0 $0x1;
	_ =	shalt  }
.Lfunc_end2:
_tile_overlayer_lowered:
.L_overlay_start_2:
0x31: {  	(tag) =	ssettag $0x2  }
0x32: {  	s0 =	rddreg [dreg:$0x0];
	s2 =	stileid.u32  }
0x33: {  	s1 =	rddreg [dreg:$0x1];
	p0 =	sne.s32 s2, $0x0  }
0x34: {  	s3 =	rddreg [dreg:$0x2];
	[bflag:$0x3] =	sbarrier.arrive $0xFFFF;
	s2 =	simm.s32 @!p0 $0x1C01  }
0x35: {  	[timem:s3], [sflag:s2] =	dma.local @!p0 [hbm:s0], s1  }
0x36: {  	s0 =	simm.s32 @!p0 $0x1  }
0x37: {  	_ =	swait.ge @!p0 [sflag:s0], s1  }
0x38: {  	s1 =	ssub.s32 @!p0 $0x0, s1;
	[sflag:s0] =	ssyncset.done @!p0 $0x0  }
0x39: {  	[sflag:s0] =	ssyncadd.s32 @!p0 s1  }
0x3a: {  	[bflag:$0x3] =	sbarrier.arrive $0xFFFF  }
0x3b: {  	_ =	shalt  }

// kernel: kernel.13.cloned.1.call-start
scs
__scs_entry_jumppad:
0x0: {  	(pc) =	sbr.rel $0x88, $3  }
0x1: {  	(tag) =	ssettag $0x0;
	lr =	simm.s32 $0x1  }
0x2: {  	[smem:$0x3F99] =	sst lr;
	_ =	strace $0xD0000000  }
0x3: {  	_ = 	snop  }
0x4: {  	_ = 	snop  }
0x5: {  	_ = 	snop  }
0x6: {  	_ = 	snop  }
0x7: {  	_ = 	snop  }
__scs_overlays_trampoline_lowered:
0x8: {  	[smem:$0x3FA8] =	sst s0  }
0x9: {  	[smem:$0x3FA9] =	sst s1  }
0xa: {  	[smem:$0x3FAA] =	sst s2  }
0xb: {  	[smem:$0x3FAB] =	sst s3  }
0xc: {  	[smem:$0x3FAC] =	sst s4  }
0xd: {  	[smem:$0x3FAD] =	sst s5  }
0xe: {  	[smem:$0x3FAE] =	sst s6  }
0xf: {  	[smem:$0x3FAF] =	sst s7  }
0x10: {  	[smem:$0x3FB0] =	sst s8  }
0x11: {  	[smem:$0x3FB1] =	sst s9;
	s0 =	simm.s32 @!p0 $0x0  }
0x12: {  	s1 =	sld [smem:$0x3F97];
	s0 =	simm.s32 @p0 $0x1  }
0x13: {  	[smem:$0x3FB2] =	sst s0;
	s0 =	simm.s32 @!p1 $0x0  }
0x14: {  	s2 =	sld [smem:$0x3F96];
	s0 =	simm.s32 @p1 $0x1  }
0x15: {  	[smem:$0x3FB3] =	sst s0;
	s0 =	simm.s32 @!p2 $0x0  }
0x16: {  	s3 =	sld [smem:$0x3FDB];
	s0 =	simm.s32 @p2 $0x1  }
0x17: {  	s4 =	simm.s32 $0x1BF5;
	[smem:$0x3FB5] =	sst s0  }
0x18: {  	s0 =	sld [smem:$0x3F98];
	_ =	swait.ge [sflag:s4], $0x0  }
0x19: {  	s7 =	sld [smem:$0x3F99]  }
0x1a: {  	s8 =	sadd.s32 $0xFFFFE003, lr  }
0x1b: {  	s9 =	sadd.s32 $0xFFFFFEF7, lr;
	s5 =	simm.s32 $0xFFFFFFFF;
	p2 =	slt.u32 s8, $0xFFFFF086  }
0x1c: {  	p1 =	slt.u32 s9, $0xF7A;
	s5 =	simm.s32 @!p2 $0x0  }
0x1d: {  	s5 =	simm.s32 @p1 $0x1;
	p0 =	seq.s32 s7, s2  }
0x1e: {  	s7 =	smul.u32 @!p0 $0xF7A, s2;
	p2 =	seq.s32 @!p0 s5, $0x0  }
0x1f: {  	s9 =	smul.u32 $0xF7A, s1;
	s8 =	simm.s32 @!p0 $0x1BF5;
	p2 =	por !p2, p0  }
0x20: {  	[sflag:s8] =	ssyncset.s32 @!p0 $0xFFFFF086;
	s6 =	sadd.s32 @!p0 s3, s7;
	s7 =	simm.s32 @!p0 $0x108  }
0x21: {  	s3 =	sadd.s32 s3, s9;
	s6 =	sadd.s32 @!p0 $0x88, s6;
	s7 =	simm.s32 @p2 $0x1082  }
0x22: {  	[simem:s7], [sflag:s8] =	dma.local @!p0 [hbm:s6], $0xF7A  }
0x23: {  	s9 =	sor.u32 $0xD0000000, s2;
	s6 =	simm.s32 $0x108;
	_ =	swait.ge @!p0 [sflag:s8], $0x0  }
0x24: {  	s3 =	sadd.s32 $0x88, s3;
	s6 =	simm.s32 @!p1 $0x1082;
	[sflag:s4] =	ssyncset.s32 $0xFFFFF086  }
0x25: {  	[simem:s6], [sflag:s4] =	dma.local [hbm:s3], $0xF7A  }
0x26: {  	[smem:$0x3F99] =	sst s1;
	(tag) =	ssettag s2;
	_ =	strace s9  }
0x27: {  	s1 =	sld [smem:$0x3FA9]  }
0x28: {  	s2 =	sld [smem:$0x3FAA]  }
0x29: {  	s4 =	sld [smem:$0x3FAC]  }
0x2a: {  	p0 =	seq.s32 s5, $0x0;
	s5 =	sld [smem:$0x3FAD]  }
0x2b: {  	s6 =	sld [smem:$0x3FAE]  }
0x2c: {  	s7 =	sld [smem:$0x3FAF]  }
0x2d: {  	s3 =	simm.s32 $0x108;
	s8 =	sld [smem:$0x3FB0]  }
0x2e: {  	s3 =	simm.s32 @!p0 $0x1082;
	s9 =	sld [smem:$0x3FB1]  }
0x2f: {  	lr =	sadd.s32 s0, s3;
	s0 =	sld [smem:$0x3FA8]  }
0x30: {  	s3 =	sld [smem:$0x3FAB]  }
0x31: {  	[smem:$0x3FB4] =	sst s10  }
0x32: {  	s10 =	sld [smem:$0x3FB2];
	_ =	sdelay $0x3  }
0x33: {  	p0 =	seq.s32 s10, $0x1;
	s10 =	sld [smem:$0x3FB4];
	_ =	sdelay $0x3  }
0x34: {  	[smem:$0x3FB4] =	sst s10  }
0x35: {  	s10 =	sld [smem:$0x3FB3];
	_ =	sdelay $0x3  }
0x36: {  	p1 =	seq.s32 s10, $0x1;
	s10 =	sld [smem:$0x3FB4];
	_ =	sdelay $0x3  }
0x37: {  	[smem:$0x3FB4] =	sst s10  }
0x38: {  	s10 =	sld [smem:$0x3FB5]  }
0x39: {  	_ = 	snop;
	(pc) =	sbr.ind lr, $3  }
0x3a: {  	_ = 	snop  }
0x3b: {  	_ = 	snop  }
0x3c: {  	p2 =	seq.s32 s10, $0x1;
	s10 =	sld [smem:$0x3FB4]  }
0x3d: {  	_ =	shalt  }
0x3e: {  	_ =	shalt  }
0x3f: {  	_ =	shalt  }
0x40: {  	_ =	shalt  }
0x41: {  	_ =	shalt  }
0x42: {  	_ =	shalt  }
0x43: {  	_ =	shalt  }
0x44: {  	_ =	shalt  }
0x45: {  	_ =	shalt  }
0x46: {  	_ =	shalt  }
0x47: {  	_ =	shalt  }
0x48: {  	_ =	shalt  }
0x49: {  	_ =	shalt  }
0x4a: {  	_ =	shalt  }
0x4b: {  	_ =	shalt  }
0x4c: {  	_ =	shalt  }
0x4d: {  	_ =	shalt  }
0x4e: {  	_ =	shalt  }
0x4f: {  	_ =	shalt  }
0x50: {  	_ =	shalt  }
0x51: {  	_ =	shalt  }
0x52: {  	_ =	shalt  }
0x53: {  	_ =	shalt  }
0x54: {  	_ =	shalt  }
0x55: {  	_ =	shalt  }
0x56: {  	_ =	shalt  }
0x57: {  	_ =	shalt  }
0x58: {  	_ =	shalt  }
0x59: {  	_ =	shalt  }
0x5a: {  	_ =	shalt  }
0x5b: {  	_ =	shalt  }
0x5c: {  	_ =	shalt  }
0x5d: {  	_ =	shalt  }
0x5e: {  	_ =	shalt  }
0x5f: {  	_ =	shalt  }
0x60: {  	_ =	shalt  }
0x61: {  	_ =	shalt  }
0x62: {  	_ =	shalt  }
0x63: {  	_ =	shalt  }
0x64: {  	_ =	shalt  }
0x65: {  	_ =	shalt  }
0x66: {  	_ =	shalt  }
0x67: {  	_ =	shalt  }
0x68: {  	_ =	shalt  }
0x69: {  	_ =	shalt  }
0x6a: {  	_ =	shalt  }
0x6b: {  	_ =	shalt  }
0x6c: {  	_ =	shalt  }
0x6d: {  	_ =	shalt  }
0x6e: {  	_ =	shalt  }
0x6f: {  	_ =	shalt  }
0x70: {  	_ =	shalt  }
0x71: {  	_ =	shalt  }
0x72: {  	_ =	shalt  }
0x73: {  	_ =	shalt  }
0x74: {  	_ =	shalt  }
0x75: {  	_ =	shalt  }
0x76: {  	_ =	shalt  }
0x77: {  	_ =	shalt  }
0x78: {  	_ =	shalt  }
0x79: {  	_ =	shalt  }
0x7a: {  	_ =	shalt  }
0x7b: {  	_ =	shalt  }
0x7c: {  	_ =	shalt  }
0x7d: {  	_ =	shalt  }
0x7e: {  	_ =	shalt  }
0x7f: {  	_ =	shalt  }
0x80: {  	_ =	shalt  }
0x81: {  	_ =	shalt  }
0x82: {  	_ =	shalt  }
0x83: {  	_ =	shalt  }
0x84: {  	_ =	shalt  }
0x85: {  	_ =	shalt  }
0x86: {  	_ =	shalt  }
0x87: {  	_ =	shalt  }
.Lfunc_end0:
.L_simem_size_0:
called_computation.1_lowered:
.L_overlay_start_0:
0x88: {  	s2 =	sld [smem:$0x3FD9]  }
0x89: {  	s3 =	sld [smem:$0x3FFE];
	_ =	sdelay $0x1  }
0x8a: {  	s1 =	srdreg.scid  }
0x8b: {  	s0 =	sand.u32 $0x1, s1  }
0x8c: {  	s16 =	sshll.u32 s0, $0xA;
	s2 =	sadd.s32 s3, s2  }
0x8d: {  	s2 =	sadd.s32 s2, s16  }
0x8e: {  	[smem:$0x3FC0] =	sst s2  }
0x8f: {  	_ = 	snop  }
0x90: {  	(tm) =	ssettm $0x1  }
0x91: {  	s17 =	sld [smem:$0x3FFB];
	_ =	sdelay $0x3  }
0x92: {  	_ =	strace s17  }
0x93: {  	s2 =	sld [smem:$0x3FFC];
	_ =	sdelay $0x3  }
0x94: {  	_ =	strace s2  }
0x95: {  	s2 =	sld [smem:$0x3FFD];
	_ =	sdelay $0x3  }
0x96: {  	_ =	strace s2  }
0x97: {  	_ =	strace $0x8FFFFFFF  }
0x98: {  	s18 =	sld [smem:$0x3FDB];
	_ =	sdelay $0x1  }
0x99: {  	s19 =	simm.s32 $_scs_section_size  }
0x9a: {  	s4 =	simm.s32 $_size__tile_overlayer_lowered;
	s5 =	simm.s32 $_tile_overlayer_lowered  }
0x9b: {  	s22 =	simm.s32 $0x1BFF;
	s21 =	sshll.u32 s5, $0x1;
	s2 =	sadd.s32 s19, s18  }
0x9c: {  	s6 =	simm.s32 $0x0;
	s20 =	sshll.u32 s4, $0x1;
	s4 =	sadd.s32 s21, s2  }
0x9d: {  	[timem:s6], [sflag:s22] =	dma.local [hbm:s4], s20  }
0x9e: {  	_ =	swait.ge [sflag:s22], s20  }
0x9f: {  	s3 =	ssub.s32 $0x0, s20;
	[sflag:s22] =	ssyncset.done $0x0  }
0xa0: {  	[sflag:s22] =	ssyncadd.s32 s3;
	_ =	sdelay $0x1  }
0xa1: {  	s23 =	simm.s32 $0x1B8B  }
0xa2: {  	_ =	swait.ge [sflag:s23], $0x1  }
0xa3: {  	[sflag:s23] =	ssyncset.done $0x0  }
0xa4: {  	s25 =	simm.s32 $0x1B8E;
	s24 =	sld [smem:$0x3FFE];
	[sflag:s23] =	ssyncadd.s32 $0xFFFFFFFF  }
0xa5: {  	s26 =	simm.s32 $execute0_lowered;
	[smem:$0x3FD2] =	sst s25  }
0xa6: {  	s4 =	sshll.u32 s26, $0x1;
	_ =	strace $0x80000049;
	[dreg:$0x1] =	wrdreg $0xFFFFFFFF  }
0xa7: {  	s28 =	simm.s32 $_size_execute0_lowered;
	s2 =	sadd.s32 s2, s4;
	[dreg:$0x0] =	wrdreg $0x0  }
0xa8: {  	s4 =	sshll.u32 s28, $0x1;
	[dreg:$0x2] =	wrdreg s2  }
0xa9: {  	[dreg:$0x3] =	wrdreg s4  }
0xaa: {  	[dreg:$0x4] =	wrdreg $0xC0  }
0xab: {  	_ =	task [dreg:s6], $0x5FFFF  }
0xac: {  	[dreg:$0x1] =	wrdreg $0xFFFFFFFF  }
0xad: {  	[dreg:$0x0] =	wrdreg $0x60  }
0xae: {  	[dreg:$0x2] =	wrdreg s24  }
0xaf: {  	[dreg:$0x3] =	wrdreg $0xA0000  }
0xb0: {  	[dreg:$0x4] =	wrdreg $0x9  }
0xb1: {  	_ =	task.clear_ibuf [dreg:s6], $0x5FFFF;
	_ =	strace $0x90000049  }
0xb2: {  	s29 =	simm.s32 $0x9;
	_ =	strace $0x8000004B  }
0xb3: {  	_ =	swait.ge [sflag:s29], $0x1  }
0xb4: {  	[sflag:s29] =	ssyncadd.s32 $0xFFFFFFFF  }
0xb5: {  	_ =	strace $0x9000004B  }
0xb6: {  	_ =	sfence  }
0xb7: {  	s30 =	sld [smem:$0x0];
	_ =	sdelay $0x2  }
0xb8: {  	s31 =	sshll.u32 s1, $0xD;
	s1 =	sshrl.u32 s1, $0x2  }
0xb9: {  	s3 =	sand.u32 $0x4000, s31;
	s1 =	sadd.s32 s1, s30  }
0xba: {  	s0 =	sor.u32 s3, s0;
	s1 =	sshll.u32 s1, $0x11  }
0xbb: {  	s0 =	sor.u32 s1, s0  }
0xbc: {  	s0 =	sadd.s32 $0x8F2B, s0  }
0xbd: {  	[sflag:s0] =	ssyncadd.remote.s32 $0x1  }
0xbe: {  	_ =	sfence.sel $0xFFFF  }
0xbf: {  	[dreg:$0x0] =	wrdreg $0xFFFFFFFF;
	(pc) =	sbr.abs _section_cstart, $3  }
0xc0: {  	[dreg:$0x1] =	wrdreg $0xFFFFFFFF  }
0xc1: {  	_ =	task.clear_ibuf [dreg:s6], $0x2FFFF;
	_ =	strace $0x9FFFFFFF  }
0xc2: {  	(tm) =	ssettm $0x7FFFFFFF  }
0xc3: {  	_ =	shalt  }
tec
execute0_lowered:
.L_overlay_start_1:
0x0: {  	(tag) =	ssettag $0x1  }
0x1: {  	s0 =	rddreg [dreg:$0x0]  }
0x2: {  	s1 =	rddreg [dreg:$0x1];
	s11 =	simm.s32 $0x0;
	s2 =	srdreg.scid  }
0x3: {  	s9 =	stileid.u32;
	s12 =	simm.s32 $0x9;
	s13 =	simm.s32 $0x1000  }
0x4: {  	s14 =	simm.s32 $0x40;
	s15 =	simm.s32 $0x2000;
	s17 =	simm.s32 $0x4000  }
0x5: {  	s18 =	simm.s32 $0x1;
	s20 =	simm.s32 $0x6000;
	s21 =	simm.s32 $0x2  }
0x6: {  	s22 =	simm.s32 $0x1080;
	s23 =	simm.s32 $0x180;
	s28 =	simm.s32 $0x1100  }
0x7: {  	s29 =	simm.s32 $0x5;
	s30 =	simm.s32 $0x200;
	s31 =	simm.s32 $0x4  }
0x8: {  	s24 =	simm.s32 $0x8;
	[smem:$0x7FF] =	sst s11;
	s6 =	smul.u32 $0x4F000, s9  }
0x9: {  	s2 =	sand.u32 $0x1, s2;
	s4 =	sadd.s32 $0x25400, s0;
	s7 =	smul.u32 $0x2780, s9  }
0xa: {  	s5 =	sadd.s32 $0x1B400, s0;
	s8 =	sshll.u32 s9, $0x6;
	s9 =	smul.u32 $0x5000, s9  }
0xb: {  	_ =	strace $0x8000004A;
	s3 =	smul.u32 $0x27800, s2;
	s2 =	ssub.s32 $0x2, s2  }
0xc: {  	s8 =	sor.u32 $0x1C09, s8;
	s25 =	sshrl.u32 s2, $0x1;
	s26 =	sshrl.u32 s6, $0x2  }
0xd: {  	[dreg:$0x5] =	wrdreg s8;
	s0 =	sadd.s32 s3, s0;
	s2 =	ssub.s32 s2, s25  }
0xe: {  	s3 =	sadd.s32 s26, s1;
	s25 =	simm.s32 $0x8000;
	s26 =	simm.s32 $0x3  }
.Ltmp0:
0xf: {  	s6 =	sadd.s32 $0x7E400, s0;
	s2 =	smax.u32 s2, $0x1;
	(pc) =	sbr.rel .LBB2_1-.Ltmp0, $4  }
0x10: {  	s0 =	sadd.s32 $0xCD400, s0;
	s16 =	sshrl.u32 s3, $0x3;
	[dreg:$0x6] =	wrdreg s2  }
0x11: {  	s3 =	simm.s32 $0x6;
	s10 =	sadd.s32 s7, s6;
	[dreg:$0x7] =	wrdreg s16  }
0x12: {  	s0 =	sadd.s32 s7, s0;
	s7 =	simm.s32 $0x280;
	[dreg:$0x4] =	wrdreg s10  }
0x13: {  	[dreg:$0x8] =	wrdreg s0;
	s0 =	simm.s32 $0x1180;
	s10 =	simm.s32 $0x7  }
.LBB2_6:
0x14: {  	[bflag:$0x0] =	sbarrier.arrive $0xFFFF  }
0x15: {  	s8 =	rddreg [dreg:$0x5]  }
0x16: {  	s16 =	rddreg [dreg:$0x7]  }
0x17: {  	s2 =	rddreg [dreg:$0x8]  }
0x18: {  	[hbm:s2], [sflag:s8] =	dma.local [spmem:s16], $0x2780  }
0x19: {  	_ =	swait.ge [sflag:s12], $0x2780  }
0x1a: {  	s11 =	rddreg [dreg:$0x3]  }
0x1b: {  	s19 =	rddreg [dreg:$0x6];
	s11 =	sadd.s32 $0x1, s11  }
0x1c: {  	p0 =	sne.s32 s11, s19  }
.Ltmp1:
0x1d: {  	_ = 	snop;
	(pc) =	sbr.rel @!p0 .LBB2_7-.Ltmp1, $3  }
0x1e: {  	_ =	sdelay $0x1  }
0x1f: {  	[sflag:s12] =	ssyncset.done $0x0  }
0x20: {  	[sflag:s12] =	ssyncadd.s32 $0xFFFFD880  }
.LBB2_1:
0x21: {  	[dreg:$0x3] =	wrdreg s11  }
0x22: {  	s2 =	rddreg [dreg:$0x4]  }
0x23: {  	[spmem:s16], [sflag:s8] =	dma.local [hbm:s2], $0x2780  }
.Ltmp2:
0x24: {  	_ =	swait.ge [sflag:s12], $0x2780;
	(pc) =	sbr.rel .LBB2_2-.Ltmp2, $4  }
0x25: {  	[sflag:s12] =	ssyncset.done $0x0  }
0x26: {  	[sflag:s12] =	ssyncadd.s32 $0xFFFFD880  }
0x27: {  	[bflag:$0x0] =	sbarrier.arrive $0xFFFF  }
0x28: {  	s8 =	simm.s32 $0x0  }
.LBB2_5:
0x29: {  	_ =	swait.ge [sflag:s31], $0x2000  }
0x2a: {  	[sflag:s31] =	ssyncset.done $0x0  }
0x2b: {  	[sflag:s31] =	ssyncadd.s32 $0xFFFFE000  }
0x2c: {  	[spmem:s1] =	stream.indirect.scatter.add.f32 [tilespmem:s25], [sflag:$0x8], $0x80, s16, s14, $0xb8;
	[tilespmem:$0x1DC00] =	vst v63  }
0x2d: {  	_ =	swait.ge [sflag:s3], $0x2000  }
0x2e: {  	[sflag:s3] =	ssyncset.done $0x0  }
0x2f: {  	s8 =	sadd.s32 $0x1, s8;
	[sflag:s3] =	ssyncadd.s32 $0xFFFFE000  }
0x30: {  	p0 =	sne.s32 s8, $0x5;
	_ =	swait.ge [sflag:s10], $0x2000  }
.Ltmp3:
0x31: {  	[sflag:s10] =	ssyncset.done $0x0;
	(pc) =	sbr.rel @!p0 .LBB2_6-.Ltmp3, $4  }
0x32: {  	[sflag:s10] =	ssyncadd.s32 $0xFFFFE000  }
0x33: {  	_ =	swait.ge [sflag:s24], $0x2000  }
0x34: {  	[sflag:s24] =	ssyncset.done $0x0  }
0x35: {  	[sflag:s24] =	ssyncadd.s32 $0xFFFFE000  }
.LBB2_2:
0x36: {  	s2 =	sshll.u32 s8, $0xC  }
0x37: {  	s2 =	sadd.s32 s9, s2  }
0x38: {  	s2 =	sshrl.u32 s2, $0x3  }
0x39: {  	s11 =	simm.s32 $0x0;
	s16 =	sadd.s32 s4, s2  }
0x3a: {  	[tilespmem:s11], [sflag:$0x9] =	stream.linear.gather [hbm4b:s16+s11], $0x1000, $0x38;
	[tilespmem:$0x1DC00] =	vst v63  }
0x3b: {  	_ =	swait.ge [sflag:s12], $0x1000  }
0x3c: {  	[sflag:s12] =	ssyncset.done $0x0  }
0x3d: {  	s2 =	sadd.s32 s5, s2;
	[sflag:s12] =	ssyncadd.s32 $0xFFFFF000  }
0x3e: {  	[tilespmem:s13], [sflag:$0x9] =	stream.linear.gather [hbm4b:s2+s11], $0x1000, $0x38;
	[tilespmem:$0x1DC00] =	vst v63  }
0x3f: {  	_ =	swait.ge [sflag:s12], $0x1000  }
0x40: {  	[sflag:s12] =	ssyncset.done $0x0  }
0x41: {  	[sflag:s12] =	ssyncadd.s32 $0xFFFFF000  }
0x42: {  	[tilespmem:s15], [sflag:$0x1] =	stream.indirect.gather [hbm4b:s6+s14], $0x80, s11, s14, $0xb8;
	[tilespmem:$0x1DC00] =	vst v63  }
0x43: {  	s16 =	simm.s32 $0x80  }
0x44: {  	[tilespmem:s17], [sflag:$0x2] =	stream.indirect.gather [hbm4b:s6+s14], $0x80, s16, s14, $0xb8;
	[tilespmem:$0x1DC00] =	vst v63  }
0x45: {  	_ =	swait.ge [sflag:s18], $0x2000  }
0x46: {  	[sflag:s18] =	ssyncset.done $0x0  }
0x47: {  	[sflag:s18] =	ssyncadd.s32 $0xFFFFE000  }
0x48: {  	[spmem:s1] =	stream.indirect.scatter.add.f32 [tilespmem:s15], [sflag:$0x5], $0x80, s13, s14, $0xb8;
	[tilespmem:$0x1DC00] =	vst v63  }
0x49: {  	s19 =	simm.s32 $0x100  }
0x4a: {  	[tilespmem:s20], [sflag:$0x3] =	stream.indirect.gather [hbm4b:s6+s14], $0x80, s19, s14, $0xb8;
	[tilespmem:$0x1DC00] =	vst v63  }
0x4b: {  	_ =	swait.ge [sflag:s21], $0x2000  }
0x4c: {  	[sflag:s21] =	ssyncset.done $0x0  }
0x4d: {  	[sflag:s21] =	ssyncadd.s32 $0xFFFFE000  }
0x4e: {  	[spmem:s1] =	stream.indirect.scatter.add.f32 [tilespmem:s17], [sflag:$0x6], $0x80, s22, s14, $0xb8;
	[tilespmem:$0x1DC00] =	vst v63  }
0x4f: {  	_ = 	snop  }
0x50: {  	[tilespmem:s25], [sflag:$0x4] =	stream.indirect.gather [hbm4b:s6+s14], $0x80, s23, s14, $0xb8;
	[tilespmem:$0x1DC00] =	vst v63  }
0x51: {  	_ =	swait.ge [sflag:s26], $0x2000  }
0x52: {  	[sflag:s26] =	ssyncset.done $0x0  }
0x53: {  	[sflag:s26] =	ssyncadd.s32 $0xFFFFE000  }
0x54: {  	[spmem:s1] =	stream.indirect.scatter.add.f32 [tilespmem:s20], [sflag:$0x7], $0x80, s28, s14, $0xb8;
	[tilespmem:$0x1DC00] =	vst v63  }
0x55: {  	_ =	swait.ge [sflag:s29], $0x2000  }
0x56: {  	[sflag:s29] =	ssyncset.done $0x0  }
0x57: {  	[sflag:s29] =	ssyncadd.s32 $0xFFFFE000  }
0x58: {  	[tilespmem:s15], [sflag:$0x1] =	stream.indirect.gather [hbm4b:s6+s14], $0x80, s30, s14, $0xb8;
	[tilespmem:$0x1DC00] =	vst v63  }
0x59: {  	_ =	swait.ge [sflag:s31], $0x2000  }
0x5a: {  	[sflag:s31] =	ssyncset.done $0x0  }
0x5b: {  	[sflag:s31] =	ssyncadd.s32 $0xFFFFE000  }
0x5c: {  	[spmem:s1] =	stream.indirect.scatter.add.f32 [tilespmem:s25], [sflag:$0x8], $0x80, s0, s14, $0xb8;
	[tilespmem:$0x1DC00] =	vst v63  }
0x5d: {  	_ =	swait.ge [sflag:s3], $0x2000  }
0x5e: {  	[sflag:s3] =	ssyncset.done $0x0  }
0x5f: {  	[sflag:s3] =	ssyncadd.s32 $0xFFFFE000  }
0x60: {  	[tilespmem:s17], [sflag:$0x2] =	stream.indirect.gather [hbm4b:s6+s14], $0x80, s7, s14, $0xb8;
	[tilespmem:$0x1DC00] =	vst v63  }
.LBB2_3:
0x61: {  	_ =	swait.ge [sflag:s18], $0x2000  }
0x62: {  	s2 =	sshra.s32 s11, $0x2;
	[sflag:s18] =	ssyncset.done $0x0  }
0x63: {  	s16 =	sadd.s32 $0x1200, s2;
	[sflag:s18] =	ssyncadd.s32 $0xFFFFE000  }
0x64: {  	[spmem:s1] =	stream.indirect.scatter.add.f32 [tilespmem:s15], [sflag:$0x5], $0x80, s16, s14, $0xb8;
	[tilespmem:$0x1DC00] =	vst v63  }
0x65: {  	_ =	swait.ge [sflag:s10], $0x2000  }
0x66: {  	[sflag:s10] =	ssyncset.done $0x0  }
0x67: {  	s19 =	sadd.s32 $0x300, s2;
	[sflag:s10] =	ssyncadd.s32 $0xFFFFE000  }
0x68: {  	[tilespmem:s20], [sflag:$0x3] =	stream.indirect.gather [hbm4b:s6+s14], $0x80, s19, s14, $0xb8;
	[tilespmem:$0x1DC00] =	vst v63  }
0x69: {  	_ =	swait.ge [sflag:s21], $0x2000  }
0x6a: {  	[sflag:s21] =	ssyncset.done $0x0  }
0x6b: {  	s19 =	sadd.s32 $0x1280, s2;
	[sflag:s21] =	ssyncadd.s32 $0xFFFFE000  }
0x6c: {  	[spmem:s1] =	stream.indirect.scatter.add.f32 [tilespmem:s17], [sflag:$0x6], $0x80, s19, s14, $0xb8;
	[tilespmem:$0x1DC00] =	vst v63  }
0x6d: {  	_ =	swait.ge [sflag:s24], $0x2000  }
0x6e: {  	[sflag:s24] =	ssyncset.done $0x0  }
0x6f: {  	s19 =	sadd.s32 $0x380, s2;
	[sflag:s24] =	ssyncadd.s32 $0xFFFFE000  }
0x70: {  	[tilespmem:s25], [sflag:$0x4] =	stream.indirect.gather [hbm4b:s6+s14], $0x80, s19, s14, $0xb8;
	[tilespmem:$0x1DC00] =	vst v63  }
0x71: {  	_ =	swait.ge [sflag:s26], $0x2000  }
0x72: {  	p0 =	seq.s32 s11, $0x3000;
	[sflag:s26] =	ssyncset.done $0x0  }
.Ltmp4:
0x73: {  	s19 =	sadd.s32 $0x1300, s2;
	[sflag:s26] =	ssyncadd.s32 $0xFFFFE000;
	(pc) =	sbr.rel @p0 .LBB2_5-.Ltmp4, $4  }
0x74: {  	[spmem:s1] =	stream.indirect.scatter.add.f32 [tilespmem:s20], [sflag:$0x7], $0x80, s19, s14, $0xb8;
	[tilespmem:$0x1DC00] =	vst v63  }
0x75: {  	_ =	swait.ge [sflag:s29], $0x2000  }
0x76: {  	[sflag:s29] =	ssyncset.done $0x0  }
0x77: {  	s16 =	sadd.s32 $0x1380, s2;
	[sflag:s29] =	ssyncadd.s32 $0xFFFFE000  }
0x78: {  	s19 =	sadd.s32 $0x400, s2  }
0x79: {  	[tilespmem:s15], [sflag:$0x1] =	stream.indirect.gather [hbm4b:s6+s14], $0x80, s19, s14, $0xb8;
	[tilespmem:$0x1DC00] =	vst v63  }
0x7a: {  	_ =	swait.ge [sflag:s31], $0x2000  }
0x7b: {  	[sflag:s31] =	ssyncset.done $0x0  }
0x7c: {  	[sflag:s31] =	ssyncadd.s32 $0xFFFFE000  }
0x7d: {  	[spmem:s1] =	stream.indirect.scatter.add.f32 [tilespmem:s25], [sflag:$0x8], $0x80, s16, s14, $0xb8;
	[tilespmem:$0x1DC00] =	vst v63  }
.Ltmp5:
0x7e: {  	_ = 	snop;
	(pc) =	sbr.rel .LBB2_3-.Ltmp5, $4  }
0x7f: {  	_ =	swait.ge [sflag:s3], $0x2000  }
0x80: {  	[sflag:s3] =	ssyncset.done $0x0  }
0x81: {  	s11 =	sadd.s32 $0x800, s11;
	s19 =	sadd.s32 $0x480, s2;
	[sflag:s3] =	ssyncadd.s32 $0xFFFFE000  }
0x82: {  	[tilespmem:s17], [sflag:$0x2] =	stream.indirect.gather [hbm4b:s6+s14], $0x80, s19, s14, $0xb8;
	[tilespmem:$0x1DC00] =	vst v63  }
.LBB2_7:
0x83: {  	_ =	sfence.sel $0x180000  }
0x84: {  	[bflag:$0x0] =	sbarrier.arrive $0xFFFF  }
0x85: {  	_ =	strace $0x9000004A  }
0x86: {  	s0 =	stileid.u32;
	[bflag:$0x2] =	sbarrier.arrive $0xFFFF  }
0x87: {  	p0 =	sne.s32 s0, $0x0;
	s0 =	rddreg [dreg:$0x2]  }
0x88: {  	s0 =	sadd.s32 @!p0 $0x100000, s0  }
0x89: {  	[sflag:s0] =	ssyncadd.tile.s32 @!p0 $0x1;
	_ =	shalt  }
.Lfunc_end2:
_tile_overlayer_lowered:
.L_overlay_start_2:
0x8a: {  	(tag) =	ssettag $0x2  }
0x8b: {  	s0 =	rddreg [dreg:$0x0];
	s2 =	stileid.u32  }
0x8c: {  	s1 =	rddreg [dreg:$0x1];
	p0 =	sne.s32 s2, $0x0  }
0x8d: {  	s3 =	rddreg [dreg:$0x2];
	[bflag:$0x3] =	sbarrier.arrive $0xFFFF;
	s2 =	simm.s32 @!p0 $0x1C09  }
0x8e: {  	[timem:s3], [sflag:s2] =	dma.local @!p0 [hbm:s0], s1  }
0x8f: {  	s0 =	simm.s32 @!p0 $0x9  }
0x90: {  	_ =	swait.ge @!p0 [sflag:s0], s1  }
0x91: {  	s1 =	ssub.s32 @!p0 $0x0, s1;
	[sflag:s0] =	ssyncset.done @!p0 $0x0  }
0x92: {  	[sflag:s0] =	ssyncadd.s32 @!p0 s1  }
0x93: {  	[bflag:$0x3] =	sbarrier.arrive $0xFFFF  }
0x94: {  	_ =	shalt  }

// kernel: kernel.16.cloned.1.call-start
scs
__scs_entry_jumppad:
0x0: {  	(pc) =	sbr.rel $0x88, $3  }
0x1: {  	(tag) =	ssettag $0x0;
	lr =	simm.s32 $0x1  }
0x2: {  	[smem:$0x3F99] =	sst lr;
	_ =	strace $0xD0000000  }
0x3: {  	_ = 	snop  }
0x4: {  	_ = 	snop  }
0x5: {  	_ = 	snop  }
0x6: {  	_ = 	snop  }
0x7: {  	_ = 	snop  }
__scs_overlays_trampoline_lowered:
0x8: {  	[smem:$0x3FA8] =	sst s0  }
0x9: {  	[smem:$0x3FA9] =	sst s1  }
0xa: {  	[smem:$0x3FAA] =	sst s2  }
0xb: {  	[smem:$0x3FAB] =	sst s3  }
0xc: {  	[smem:$0x3FAC] =	sst s4  }
0xd: {  	[smem:$0x3FAD] =	sst s5  }
0xe: {  	[smem:$0x3FAE] =	sst s6  }
0xf: {  	[smem:$0x3FAF] =	sst s7  }
0x10: {  	[smem:$0x3FB0] =	sst s8  }
0x11: {  	[smem:$0x3FB1] =	sst s9;
	s0 =	simm.s32 @!p0 $0x0  }
0x12: {  	s1 =	sld [smem:$0x3F97];
	s0 =	simm.s32 @p0 $0x1  }
0x13: {  	[smem:$0x3FB2] =	sst s0;
	s0 =	simm.s32 @!p1 $0x0  }
0x14: {  	s2 =	sld [smem:$0x3F96];
	s0 =	simm.s32 @p1 $0x1  }
0x15: {  	[smem:$0x3FB3] =	sst s0;
	s0 =	simm.s32 @!p2 $0x0  }
0x16: {  	s3 =	sld [smem:$0x3FDB];
	s0 =	simm.s32 @p2 $0x1  }
0x17: {  	s4 =	simm.s32 $0x1BF5;
	[smem:$0x3FB5] =	sst s0  }
0x18: {  	s0 =	sld [smem:$0x3F98];
	_ =	swait.ge [sflag:s4], $0x0  }
0x19: {  	s7 =	sld [smem:$0x3F99]  }
0x1a: {  	s8 =	sadd.s32 $0xFFFFE003, lr  }
0x1b: {  	s9 =	sadd.s32 $0xFFFFFEF7, lr;
	s5 =	simm.s32 $0xFFFFFFFF;
	p2 =	slt.u32 s8, $0xFFFFF086  }
0x1c: {  	p1 =	slt.u32 s9, $0xF7A;
	s5 =	simm.s32 @!p2 $0x0  }
0x1d: {  	s5 =	simm.s32 @p1 $0x1;
	p0 =	seq.s32 s7, s2  }
0x1e: {  	s7 =	smul.u32 @!p0 $0xF7A, s2;
	p2 =	seq.s32 @!p0 s5, $0x0  }
0x1f: {  	s9 =	smul.u32 $0xF7A, s1;
	s8 =	simm.s32 @!p0 $0x1BF5;
	p2 =	por !p2, p0  }
0x20: {  	[sflag:s8] =	ssyncset.s32 @!p0 $0xFFFFF086;
	s6 =	sadd.s32 @!p0 s3, s7;
	s7 =	simm.s32 @!p0 $0x108  }
0x21: {  	s3 =	sadd.s32 s3, s9;
	s6 =	sadd.s32 @!p0 $0x88, s6;
	s7 =	simm.s32 @p2 $0x1082  }
0x22: {  	[simem:s7], [sflag:s8] =	dma.local @!p0 [hbm:s6], $0xF7A  }
0x23: {  	s9 =	sor.u32 $0xD0000000, s2;
	s6 =	simm.s32 $0x108;
	_ =	swait.ge @!p0 [sflag:s8], $0x0  }
0x24: {  	s3 =	sadd.s32 $0x88, s3;
	s6 =	simm.s32 @!p1 $0x1082;
	[sflag:s4] =	ssyncset.s32 $0xFFFFF086  }
0x25: {  	[simem:s6], [sflag:s4] =	dma.local [hbm:s3], $0xF7A  }
0x26: {  	[smem:$0x3F99] =	sst s1;
	(tag) =	ssettag s2;
	_ =	strace s9  }
0x27: {  	s1 =	sld [smem:$0x3FA9]  }
0x28: {  	s2 =	sld [smem:$0x3FAA]  }
0x29: {  	s4 =	sld [smem:$0x3FAC]  }
0x2a: {  	p0 =	seq.s32 s5, $0x0;
	s5 =	sld [smem:$0x3FAD]  }
0x2b: {  	s6 =	sld [smem:$0x3FAE]  }
0x2c: {  	s7 =	sld [smem:$0x3FAF]  }
0x2d: {  	s3 =	simm.s32 $0x108;
	s8 =	sld [smem:$0x3FB0]  }
0x2e: {  	s3 =	simm.s32 @!p0 $0x1082;
	s9 =	sld [smem:$0x3FB1]  }
0x2f: {  	lr =	sadd.s32 s0, s3;
	s0 =	sld [smem:$0x3FA8]  }
0x30: {  	s3 =	sld [smem:$0x3FAB]  }
0x31: {  	[smem:$0x3FB4] =	sst s10  }
0x32: {  	s10 =	sld [smem:$0x3FB2];
	_ =	sdelay $0x3  }
0x33: {  	p0 =	seq.s32 s10, $0x1;
	s10 =	sld [smem:$0x3FB4];
	_ =	sdelay $0x3  }
0x34: {  	[smem:$0x3FB4] =	sst s10  }
0x35: {  	s10 =	sld [smem:$0x3FB3];
	_ =	sdelay $0x3  }
0x36: {  	p1 =	seq.s32 s10, $0x1;
	s10 =	sld [smem:$0x3FB4];
	_ =	sdelay $0x3  }
0x37: {  	[smem:$0x3FB4] =	sst s10  }
0x38: {  	s10 =	sld [smem:$0x3FB5]  }
0x39: {  	_ = 	snop;
	(pc) =	sbr.ind lr, $3  }
0x3a: {  	_ = 	snop  }
0x3b: {  	_ = 	snop  }
0x3c: {  	p2 =	seq.s32 s10, $0x1;
	s10 =	sld [smem:$0x3FB4]  }
0x3d: {  	_ =	shalt  }
0x3e: {  	_ =	shalt  }
0x3f: {  	_ =	shalt  }
0x40: {  	_ =	shalt  }
0x41: {  	_ =	shalt  }
0x42: {  	_ =	shalt  }
0x43: {  	_ =	shalt  }
0x44: {  	_ =	shalt  }
0x45: {  	_ =	shalt  }
0x46: {  	_ =	shalt  }
0x47: {  	_ =	shalt  }
0x48: {  	_ =	shalt  }
0x49: {  	_ =	shalt  }
0x4a: {  	_ =	shalt  }
0x4b: {  	_ =	shalt  }
0x4c: {  	_ =	shalt  }
0x4d: {  	_ =	shalt  }
0x4e: {  	_ =	shalt  }
0x4f: {  	_ =	shalt  }
0x50: {  	_ =	shalt  }
0x51: {  	_ =	shalt  }
0x52: {  	_ =	shalt  }
0x53: {  	_ =	shalt  }
0x54: {  	_ =	shalt  }
0x55: {  	_ =	shalt  }
0x56: {  	_ =	shalt  }
0x57: {  	_ =	shalt  }
0x58: {  	_ =	shalt  }
0x59: {  	_ =	shalt  }
0x5a: {  	_ =	shalt  }
0x5b: {  	_ =	shalt  }
0x5c: {  	_ =	shalt  }
0x5d: {  	_ =	shalt  }
0x5e: {  	_ =	shalt  }
0x5f: {  	_ =	shalt  }
0x60: {  	_ =	shalt  }
0x61: {  	_ =	shalt  }
0x62: {  	_ =	shalt  }
0x63: {  	_ =	shalt  }
0x64: {  	_ =	shalt  }
0x65: {  	_ =	shalt  }
0x66: {  	_ =	shalt  }
0x67: {  	_ =	shalt  }
0x68: {  	_ =	shalt  }
0x69: {  	_ =	shalt  }
0x6a: {  	_ =	shalt  }
0x6b: {  	_ =	shalt  }
0x6c: {  	_ =	shalt  }
0x6d: {  	_ =	shalt  }
0x6e: {  	_ =	shalt  }
0x6f: {  	_ =	shalt  }
0x70: {  	_ =	shalt  }
0x71: {  	_ =	shalt  }
0x72: {  	_ =	shalt  }
0x73: {  	_ =	shalt  }
0x74: {  	_ =	shalt  }
0x75: {  	_ =	shalt  }
0x76: {  	_ =	shalt  }
0x77: {  	_ =	shalt  }
0x78: {  	_ =	shalt  }
0x79: {  	_ =	shalt  }
0x7a: {  	_ =	shalt  }
0x7b: {  	_ =	shalt  }
0x7c: {  	_ =	shalt  }
0x7d: {  	_ =	shalt  }
0x7e: {  	_ =	shalt  }
0x7f: {  	_ =	shalt  }
0x80: {  	_ =	shalt  }
0x81: {  	_ =	shalt  }
0x82: {  	_ =	shalt  }
0x83: {  	_ =	shalt  }
0x84: {  	_ =	shalt  }
0x85: {  	_ =	shalt  }
0x86: {  	_ =	shalt  }
0x87: {  	_ =	shalt  }
.Lfunc_end0:
.L_simem_size_0:
called_computation.2_lowered:
.L_overlay_start_0:
0x88: {  	s2 =	sld [smem:$0x3FD9]  }
0x89: {  	s3 =	sld [smem:$0x3FFE];
	_ =	sdelay $0x1  }
0x8a: {  	s1 =	srdreg.scid  }
0x8b: {  	s0 =	sand.u32 $0x1, s1  }
0x8c: {  	s16 =	sshll.u32 s0, $0xA;
	s2 =	sadd.s32 s3, s2  }
0x8d: {  	s2 =	sadd.s32 s2, s16  }
0x8e: {  	[smem:$0x3FC0] =	sst s2  }
0x8f: {  	_ = 	snop  }
0x90: {  	(tm) =	ssettm $0x1  }
0x91: {  	s17 =	sld [smem:$0x3FFB];
	_ =	sdelay $0x3  }
0x92: {  	_ =	strace s17  }
0x93: {  	s2 =	sld [smem:$0x3FFC];
	_ =	sdelay $0x3  }
0x94: {  	_ =	strace s2  }
0x95: {  	s2 =	sld [smem:$0x3FFD];
	_ =	sdelay $0x3  }
0x96: {  	_ =	strace s2  }
0x97: {  	_ =	strace $0x8FFFFFFF  }
0x98: {  	s18 =	sld [smem:$0x3FDB];
	_ =	sdelay $0x1  }
0x99: {  	s19 =	simm.s32 $_scs_section_size  }
0x9a: {  	s4 =	simm.s32 $_size__tile_overlayer_lowered;
	s5 =	simm.s32 $_tile_overlayer_lowered  }
0x9b: {  	s22 =	simm.s32 $0x1BFF;
	s21 =	sshll.u32 s5, $0x1;
	s2 =	sadd.s32 s19, s18  }
0x9c: {  	s6 =	simm.s32 $0x0;
	s20 =	sshll.u32 s4, $0x1;
	s4 =	sadd.s32 s21, s2  }
0x9d: {  	[timem:s6], [sflag:s22] =	dma.local [hbm:s4], s20  }
0x9e: {  	_ =	swait.ge [sflag:s22], s20  }
0x9f: {  	s3 =	ssub.s32 $0x0, s20;
	[sflag:s22] =	ssyncset.done $0x0  }
0xa0: {  	[sflag:s22] =	ssyncadd.s32 s3;
	_ =	sdelay $0x1  }
0xa1: {  	s23 =	simm.s32 $0x1B8B  }
0xa2: {  	_ =	swait.ge [sflag:s23], $0x1  }
0xa3: {  	[sflag:s23] =	ssyncset.done $0x0  }
0xa4: {  	s25 =	simm.s32 $0x1B8E;
	s24 =	sld [smem:$0x3FFE];
	[sflag:s23] =	ssyncadd.s32 $0xFFFFFFFF  }
0xa5: {  	s26 =	simm.s32 $execute0_lowered;
	[smem:$0x3FD2] =	sst s25  }
0xa6: {  	s4 =	sshll.u32 s26, $0x1;
	_ =	strace $0x8000004C;
	[dreg:$0x1] =	wrdreg $0xFFFFFFFF  }
0xa7: {  	s28 =	simm.s32 $_size_execute0_lowered;
	s2 =	sadd.s32 s2, s4;
	[dreg:$0x0] =	wrdreg $0x0  }
0xa8: {  	s4 =	sshll.u32 s28, $0x1;
	[dreg:$0x2] =	wrdreg s2  }
0xa9: {  	[dreg:$0x3] =	wrdreg s4  }
0xaa: {  	[dreg:$0x4] =	wrdreg $0xC0  }
0xab: {  	_ =	task [dreg:s6], $0x5FFFF  }
0xac: {  	[dreg:$0x1] =	wrdreg $0xFFFFFFFF  }
0xad: {  	[dreg:$0x0] =	wrdreg $0x60  }
0xae: {  	[dreg:$0x2] =	wrdreg s24  }
0xaf: {  	[dreg:$0x3] =	wrdreg $0x88000  }
0xb0: {  	[dreg:$0x4] =	wrdreg $0x9  }
0xb1: {  	_ =	task.clear_ibuf [dreg:s6], $0x5FFFF;
	_ =	strace $0x9000004C  }
0xb2: {  	s29 =	simm.s32 $0x9;
	_ =	strace $0x8000004E  }
0xb3: {  	_ =	swait.ge [sflag:s29], $0x1  }
0xb4: {  	[sflag:s29] =	ssyncadd.s32 $0xFFFFFFFF  }
0xb5: {  	_ =	strace $0x9000004E  }
0xb6: {  	_ =	sfence  }
0xb7: {  	s30 =	sld [smem:$0x0];
	_ =	sdelay $0x2  }
0xb8: {  	s31 =	sshll.u32 s1, $0xD;
	s1 =	sshrl.u32 s1, $0x2  }
0xb9: {  	s3 =	sand.u32 $0x4000, s31;
	s1 =	sadd.s32 s1, s30  }
0xba: {  	s0 =	sor.u32 s3, s0;
	s1 =	sshll.u32 s1, $0x11  }
0xbb: {  	s0 =	sor.u32 s1, s0  }
0xbc: {  	s0 =	sadd.s32 $0x8F2B, s0  }
0xbd: {  	[sflag:s0] =	ssyncadd.remote.s32 $0x1  }
0xbe: {  	_ =	sfence.sel $0xFFFF  }
0xbf: {  	[dreg:$0x0] =	wrdreg $0xFFFFFFFF;
	(pc) =	sbr.abs _section_cstart, $3  }
0xc0: {  	[dreg:$0x1] =	wrdreg $0xFFFFFFFF  }
0xc1: {  	_ =	task.clear_ibuf [dreg:s6], $0x2FFFF;
	_ =	strace $0x9FFFFFFF  }
0xc2: {  	(tm) =	ssettm $0x7FFFFFFF  }
0xc3: {  	_ =	shalt  }
tec
execute0_lowered:
.L_overlay_start_1:
0x0: {  	(tag) =	ssettag $0x1  }
0x1: {  	s0 =	srdreg.scid  }
0x2: {  	s1 =	rddreg [dreg:$0x0];
	s9 =	stileid.u32  }
0x3: {  	s2 =	rddreg [dreg:$0x1];
	s11 =	simm.s32 $0x9;
	s12 =	simm.s32 $0x1400  }
0x4: {  	s13 =	simm.s32 $0x80;
	s14 =	simm.s32 $0x2800;
	s15 =	simm.s32 $0x4000  }
0x5: {  	s16 =	simm.s32 $0x1;
	s18 =	simm.s32 $0x5800;
	s19 =	simm.s32 $0x2  }
0x6: {  	s22 =	simm.s32 $0x7000;
	s23 =	simm.s32 $0x3;
	s26 =	simm.s32 $0x5  }
0x7: {  	s29 =	simm.s32 $0x4;
	s31 =	simm.s32 $0x6;
	s20 =	simm.s32 $0x0  }
0x8: {  	s0 =	sand.u32 $0x1, s0;
	s7 =	smul.u32 $0x7680, s9;
	s30 =	sshll.u32 s9, $0x6  }
0x9: {  	s3 =	sshll.u32 s0, $0x4;
	s6 =	smul.u32 $0xED00, s0;
	s0 =	ssub.s32 $0x2, s0  }
0xa: {  	s4 =	sor.u32 s9, s3;
	s3 =	simm.s32 $0x0;
	s28 =	sshrl.u32 s0, $0x1  }
0xb: {  	s17 =	sshrl.u32 s7, $0x3;
	s10 =	sadd.s32 s7, s2;
	s5 =	smul.u32 $0x280, s4  }
0xc: {  	[smem:$0x7FF] =	sst s3;
	s4 =	sadd.s32 $0xC600, s1;
	s0 =	ssub.s32 s0, s28  }
.Ltmp0:
0xd: {  	s10 =	sshrl.u32 s10, $0x3;
	_ =	strace $0x8000004D;
	(pc) =	sbr.rel .LBB2_1-.Ltmp0, $4  }
0xe: {  	s9 =	smax.u32 s0, $0x1;
	s0 =	simm.s32 $0x7;
	s8 =	sadd.s32 s5, s1  }
0xf: {  	s1 =	sadd.s32 s6, s1;
	s5 =	sadd.s32 s4, s17;
	s6 =	sor.u32 $0x1C09, s30  }
0x10: {  	s7 =	sadd.s32 $0x7600, s8;
	s8 =	sadd.s32 $0x2600, s8;
	s1 =	sadd.s32 $0x7E400, s1  }
0x11: {  	s24 =	sadd.s32 s17, s1;
	s1 =	simm.s32 $0x280;
	s17 =	simm.s32 $0x8  }
.LBB2_4:
0x12: {  	_ =	swait.ge [sflag:s29], $0x1800  }
0x13: {  	[sflag:s29] =	ssyncset.done $0x0  }
0x14: {  	[sflag:s29] =	ssyncadd.s32 $0xFFFFE800  }
0x15: {  	[spmem:s2] =	stream.indirect.scatter.add.f32 [tilespmem:s22], [sflag:$0x8], $0x30, s28, s13, $0xb8;
	[tilespmem:$0xFE80] =	vst v63  }
0x16: {  	_ =	swait.ge [sflag:s31], $0x1800  }
0x17: {  	[sflag:s31] =	ssyncset.done $0x0  }
0x18: {  	[sflag:s31] =	ssyncadd.s32 $0xFFFFE800  }
0x19: {  	_ =	swait.ge [sflag:s0], $0x1800  }
0x1a: {  	[sflag:s0] =	ssyncset.done $0x0  }
0x1b: {  	[sflag:s0] =	ssyncadd.s32 $0xFFFFE800  }
0x1c: {  	_ =	swait.ge [sflag:s17], $0x1800  }
0x1d: {  	s20 =	sadd.s32 $0x1, s20;
	[sflag:s17] =	ssyncset.done $0x0  }
0x1e: {  	p0 =	sne.s32 s20, s9;
	[sflag:s17] =	ssyncadd.s32 $0xFFFFE800  }
.Ltmp1:
0x1f: {  	[bflag:$0x0] =	sbarrier.arrive $0xFFFF;
	(pc) =	sbr.rel @!p0 .LBB2_5-.Ltmp1, $4  }
0x20: {  	[hbm:s24], [sflag:s6] =	dma.local [spmem:s10], $0xED0  }
0x21: {  	_ =	swait.ge [sflag:s11], $0xED0  }
0x22: {  	[sflag:s11] =	ssyncset.done $0x0  }
0x23: {  	[sflag:s11] =	ssyncadd.s32 $0xFFFFF130  }
.LBB2_1:
0x24: {  	[spmem:s10], [sflag:s6] =	dma.local [hbm:s5], $0xED0  }
0x25: {  	_ =	swait.ge [sflag:s11], $0xED0  }
0x26: {  	[sflag:s11] =	ssyncset.done $0x0  }
0x27: {  	[sflag:s11] =	ssyncadd.s32 $0xFFFFF130  }
0x28: {  	[tilespmem:s3], [sflag:$0x9] =	stream.linear.gather [hbm4b:s7+s3], $0x1400, $0x38;
	[tilespmem:$0xFE80] =	vst v63  }
0x29: {  	_ =	swait.ge [sflag:s11], $0x1400  }
0x2a: {  	[sflag:s11] =	ssyncset.done $0x0  }
0x2b: {  	[sflag:s11] =	ssyncadd.s32 $0xFFFFEC00  }
0x2c: {  	[tilespmem:s12], [sflag:$0x9] =	stream.linear.gather [hbm4b:s8+s3], $0x1400, $0x38;
	[tilespmem:$0xFE80] =	vst v63  }
0x2d: {  	_ =	swait.ge [sflag:s11], $0x1400  }
0x2e: {  	[sflag:s11] =	ssyncset.done $0x0  }
0x2f: {  	[sflag:s11] =	ssyncadd.s32 $0xFFFFEC00  }
0x30: {  	[bflag:$0x0] =	sbarrier.arrive $0xFFFF  }
0x31: {  	[tilespmem:s14], [sflag:$0x1] =	stream.indirect.gather [hbm4b:s4+s13], $0x30, s3, s13, $0xb8;
	[tilespmem:$0xFE80] =	vst v63  }
0x32: {  	_ = 	snop  }
0x33: {  	[tilespmem:s15], [sflag:$0x2] =	stream.indirect.gather [hbm4b:s4+s13], $0x30, s13, s13, $0xb8;
	[tilespmem:$0xFE80] =	vst v63  }
0x34: {  	_ =	swait.ge [sflag:s16], $0x1800  }
0x35: {  	[sflag:s16] =	ssyncset.done $0x0  }
0x36: {  	[sflag:s16] =	ssyncadd.s32 $0xFFFFE800  }
0x37: {  	[spmem:s2] =	stream.indirect.scatter.add.f32 [tilespmem:s14], [sflag:$0x5], $0x30, s12, s13, $0xb8;
	[tilespmem:$0xFE80] =	vst v63  }
0x38: {  	s21 =	simm.s32 $0x100  }
0x39: {  	[tilespmem:s18], [sflag:$0x3] =	stream.indirect.gather [hbm4b:s4+s13], $0x30, s21, s13, $0xb8;
	[tilespmem:$0xFE80] =	vst v63  }
0x3a: {  	_ =	swait.ge [sflag:s19], $0x1800  }
0x3b: {  	[sflag:s19] =	ssyncset.done $0x0  }
0x3c: {  	s28 =	simm.s32 $0x1480;
	[sflag:s19] =	ssyncadd.s32 $0xFFFFE800  }
0x3d: {  	[spmem:s2] =	stream.indirect.scatter.add.f32 [tilespmem:s15], [sflag:$0x6], $0x30, s28, s13, $0xb8;
	[tilespmem:$0xFE80] =	vst v63  }
0x3e: {  	s30 =	simm.s32 $0x180  }
0x3f: {  	[tilespmem:s22], [sflag:$0x4] =	stream.indirect.gather [hbm4b:s4+s13], $0x30, s30, s13, $0xb8;
	[tilespmem:$0xFE80] =	vst v63  }
0x40: {  	_ =	swait.ge [sflag:s23], $0x1800  }
0x41: {  	[sflag:s23] =	ssyncset.done $0x0  }
0x42: {  	s25 =	simm.s32 $0x1500;
	[sflag:s23] =	ssyncadd.s32 $0xFFFFE800  }
0x43: {  	[spmem:s2] =	stream.indirect.scatter.add.f32 [tilespmem:s18], [sflag:$0x7], $0x30, s25, s13, $0xb8;
	[tilespmem:$0xFE80] =	vst v63  }
0x44: {  	_ =	swait.ge [sflag:s26], $0x1800  }
0x45: {  	[sflag:s26] =	ssyncset.done $0x0  }
0x46: {  	s28 =	simm.s32 $0x200;
	[sflag:s26] =	ssyncadd.s32 $0xFFFFE800  }
0x47: {  	[tilespmem:s14], [sflag:$0x1] =	stream.indirect.gather [hbm4b:s4+s13], $0x30, s28, s13, $0xb8;
	[tilespmem:$0xFE80] =	vst v63  }
0x48: {  	_ =	swait.ge [sflag:s29], $0x1800  }
0x49: {  	[sflag:s29] =	ssyncset.done $0x0  }
0x4a: {  	s30 =	simm.s32 $0x1580;
	[sflag:s29] =	ssyncadd.s32 $0xFFFFE800  }
0x4b: {  	[spmem:s2] =	stream.indirect.scatter.add.f32 [tilespmem:s22], [sflag:$0x8], $0x30, s30, s13, $0xb8;
	[tilespmem:$0xFE80] =	vst v63  }
0x4c: {  	_ =	swait.ge [sflag:s31], $0x1800  }
0x4d: {  	[sflag:s31] =	ssyncset.done $0x0  }
0x4e: {  	s21 =	simm.s32 $0x0;
	[sflag:s31] =	ssyncadd.s32 $0xFFFFE800  }
0x4f: {  	[tilespmem:s15], [sflag:$0x2] =	stream.indirect.gather [hbm4b:s4+s13], $0x30, s1, s13, $0xb8;
	[tilespmem:$0xFE80] =	vst v63  }
.LBB2_2:
0x50: {  	_ =	swait.ge [sflag:s16], $0x1800  }
0x51: {  	s25 =	sshra.s32 s21, $0x2;
	[sflag:s16] =	ssyncset.done $0x0  }
0x52: {  	s28 =	sadd.s32 $0x1600, s25;
	[sflag:s16] =	ssyncadd.s32 $0xFFFFE800  }
0x53: {  	[spmem:s2] =	stream.indirect.scatter.add.f32 [tilespmem:s14], [sflag:$0x5], $0x30, s28, s13, $0xb8;
	[tilespmem:$0xFE80] =	vst v63  }
0x54: {  	_ =	swait.ge [sflag:s0], $0x1800  }
0x55: {  	[sflag:s0] =	ssyncset.done $0x0  }
0x56: {  	s28 =	sadd.s32 $0x300, s25;
	[sflag:s0] =	ssyncadd.s32 $0xFFFFE800  }
0x57: {  	[tilespmem:s18], [sflag:$0x3] =	stream.indirect.gather [hbm4b:s4+s13], $0x30, s28, s13, $0xb8;
	[tilespmem:$0xFE80] =	vst v63  }
0x58: {  	_ =	swait.ge [sflag:s19], $0x1800  }
0x59: {  	[sflag:s19] =	ssyncset.done $0x0  }
0x5a: {  	s28 =	sadd.s32 $0x1680, s25;
	[sflag:s19] =	ssyncadd.s32 $0xFFFFE800  }
0x5b: {  	[spmem:s2] =	stream.indirect.scatter.add.f32 [tilespmem:s15], [sflag:$0x6], $0x30, s28, s13, $0xb8;
	[tilespmem:$0xFE80] =	vst v63  }
0x5c: {  	_ =	swait.ge [sflag:s17], $0x1800  }
0x5d: {  	[sflag:s17] =	ssyncset.done $0x0  }
0x5e: {  	s28 =	sadd.s32 $0x380, s25;
	[sflag:s17] =	ssyncadd.s32 $0xFFFFE800  }
0x5f: {  	[tilespmem:s22], [sflag:$0x4] =	stream.indirect.gather [hbm4b:s4+s13], $0x30, s28, s13, $0xb8;
	[tilespmem:$0xFE80] =	vst v63  }
0x60: {  	_ =	swait.ge [sflag:s23], $0x1800  }
0x61: {  	p0 =	seq.s32 s21, $0x4000;
	[sflag:s23] =	ssyncset.done $0x0  }
.Ltmp2:
0x62: {  	s28 =	sadd.s32 $0x1700, s25;
	[sflag:s23] =	ssyncadd.s32 $0xFFFFE800;
	(pc) =	sbr.rel @p0 .LBB2_4-.Ltmp2, $4  }
0x63: {  	[spmem:s2] =	stream.indirect.scatter.add.f32 [tilespmem:s18], [sflag:$0x7], $0x30, s28, s13, $0xb8;
	[tilespmem:$0xFE80] =	vst v63  }
0x64: {  	_ =	swait.ge [sflag:s26], $0x1800  }
0x65: {  	[sflag:s26] =	ssyncset.done $0x0  }
0x66: {  	s28 =	sadd.s32 $0x1780, s25;
	[sflag:s26] =	ssyncadd.s32 $0xFFFFE800  }
0x67: {  	s30 =	sadd.s32 $0x400, s25  }
0x68: {  	[tilespmem:s14], [sflag:$0x1] =	stream.indirect.gather [hbm4b:s4+s13], $0x30, s30, s13, $0xb8;
	[tilespmem:$0xFE80] =	vst v63  }
0x69: {  	_ =	swait.ge [sflag:s29], $0x1800  }
0x6a: {  	[sflag:s29] =	ssyncset.done $0x0  }
0x6b: {  	[sflag:s29] =	ssyncadd.s32 $0xFFFFE800  }
0x6c: {  	[spmem:s2] =	stream.indirect.scatter.add.f32 [tilespmem:s22], [sflag:$0x8], $0x30, s28, s13, $0xb8;
	[tilespmem:$0xFE80] =	vst v63  }
.Ltmp3:
0x6d: {  	_ = 	snop;
	(pc) =	sbr.rel .LBB2_2-.Ltmp3, $4  }
0x6e: {  	_ =	swait.ge [sflag:s31], $0x1800  }
0x6f: {  	[sflag:s31] =	ssyncset.done $0x0  }
0x70: {  	s21 =	sadd.s32 $0x800, s21;
	s30 =	sadd.s32 $0x480, s25;
	[sflag:s31] =	ssyncadd.s32 $0xFFFFE800  }
0x71: {  	[tilespmem:s15], [sflag:$0x2] =	stream.indirect.gather [hbm4b:s4+s13], $0x30, s30, s13, $0xb8;
	[tilespmem:$0xFE80] =	vst v63  }
.LBB2_5:
0x72: {  	_ =	sfence.sel $0x180000  }
0x73: {  	[bflag:$0x0] =	sbarrier.arrive $0xFFFF  }
0x74: {  	_ =	strace $0x9000004D  }
0x75: {  	s0 =	stileid.u32;
	[bflag:$0x2] =	sbarrier.arrive $0xFFFF  }
0x76: {  	p0 =	sne.s32 s0, $0x0;
	s0 =	rddreg [dreg:$0x2]  }
0x77: {  	s0 =	sadd.s32 @!p0 $0x100000, s0  }
0x78: {  	[sflag:s0] =	ssyncadd.tile.s32 @!p0 $0x1;
	_ =	shalt  }
.Lfunc_end2:
_tile_overlayer_lowered:
.L_overlay_start_2:
0x79: {  	(tag) =	ssettag $0x2  }
0x7a: {  	s0 =	rddreg [dreg:$0x0];
	s2 =	stileid.u32  }
0x7b: {  	s1 =	rddreg [dreg:$0x1];
	p0 =	sne.s32 s2, $0x0  }
0x7c: {  	s3 =	rddreg [dreg:$0x2];
	[bflag:$0x3] =	sbarrier.arrive $0xFFFF;
	s2 =	simm.s32 @!p0 $0x1C09  }
0x7d: {  	[timem:s3], [sflag:s2] =	dma.local @!p0 [hbm:s0], s1  }
0x7e: {  	s0 =	simm.s32 @!p0 $0x9  }
0x7f: {  	_ =	swait.ge @!p0 [sflag:s0], s1  }
0x80: {  	s1 =	ssub.s32 @!p0 $0x0, s1;
	[sflag:s0] =	ssyncset.done @!p0 $0x0  }
0x81: {  	[sflag:s0] =	ssyncadd.s32 @!p0 s1  }
0x82: {  	[bflag:$0x3] =	sbarrier.arrive $0xFFFF  }
0x83: {  	_ =	shalt  }

// kernel: kernel.19.cloned.1.call-start
scs
__scs_entry_jumppad:
0x0: {  	(pc) =	sbr.rel $0x88, $3  }
0x1: {  	(tag) =	ssettag $0x0;
	lr =	simm.s32 $0x1  }
0x2: {  	[smem:$0x3F99] =	sst lr;
	_ =	strace $0xD0000000  }
0x3: {  	_ = 	snop  }
0x4: {  	_ = 	snop  }
0x5: {  	_ = 	snop  }
0x6: {  	_ = 	snop  }
0x7: {  	_ = 	snop  }
__scs_overlays_trampoline_lowered:
0x8: {  	[smem:$0x3FA8] =	sst s0  }
0x9: {  	[smem:$0x3FA9] =	sst s1  }
0xa: {  	[smem:$0x3FAA] =	sst s2  }
0xb: {  	[smem:$0x3FAB] =	sst s3  }
0xc: {  	[smem:$0x3FAC] =	sst s4  }
0xd: {  	[smem:$0x3FAD] =	sst s5  }
0xe: {  	[smem:$0x3FAE] =	sst s6  }
0xf: {  	[smem:$0x3FAF] =	sst s7  }
0x10: {  	[smem:$0x3FB0] =	sst s8  }
0x11: {  	[smem:$0x3FB1] =	sst s9;
	s0 =	simm.s32 @!p0 $0x0  }
0x12: {  	s1 =	sld [smem:$0x3F97];
	s0 =	simm.s32 @p0 $0x1  }
0x13: {  	[smem:$0x3FB2] =	sst s0;
	s0 =	simm.s32 @!p1 $0x0  }
0x14: {  	s2 =	sld [smem:$0x3F96];
	s0 =	simm.s32 @p1 $0x1  }
0x15: {  	[smem:$0x3FB3] =	sst s0;
	s0 =	simm.s32 @!p2 $0x0  }
0x16: {  	s3 =	sld [smem:$0x3FDB];
	s0 =	simm.s32 @p2 $0x1  }
0x17: {  	s4 =	simm.s32 $0x1BF5;
	[smem:$0x3FB5] =	sst s0  }
0x18: {  	s0 =	sld [smem:$0x3F98];
	_ =	swait.ge [sflag:s4], $0x0  }
0x19: {  	s7 =	sld [smem:$0x3F99]  }
0x1a: {  	s8 =	sadd.s32 $0xFFFFE003, lr  }
0x1b: {  	s9 =	sadd.s32 $0xFFFFFEF7, lr;
	s5 =	simm.s32 $0xFFFFFFFF;
	p2 =	slt.u32 s8, $0xFFFFF086  }
0x1c: {  	p1 =	slt.u32 s9, $0xF7A;
	s5 =	simm.s32 @!p2 $0x0  }
0x1d: {  	s5 =	simm.s32 @p1 $0x1;
	p0 =	seq.s32 s7, s2  }
0x1e: {  	s7 =	smul.u32 @!p0 $0xF7A, s2;
	p2 =	seq.s32 @!p0 s5, $0x0  }
0x1f: {  	s9 =	smul.u32 $0xF7A, s1;
	s8 =	simm.s32 @!p0 $0x1BF5;
	p2 =	por !p2, p0  }
0x20: {  	[sflag:s8] =	ssyncset.s32 @!p0 $0xFFFFF086;
	s6 =	sadd.s32 @!p0 s3, s7;
	s7 =	simm.s32 @!p0 $0x108  }
0x21: {  	s3 =	sadd.s32 s3, s9;
	s6 =	sadd.s32 @!p0 $0x88, s6;
	s7 =	simm.s32 @p2 $0x1082  }
0x22: {  	[simem:s7], [sflag:s8] =	dma.local @!p0 [hbm:s6], $0xF7A  }
0x23: {  	s9 =	sor.u32 $0xD0000000, s2;
	s6 =	simm.s32 $0x108;
	_ =	swait.ge @!p0 [sflag:s8], $0x0  }
0x24: {  	s3 =	sadd.s32 $0x88, s3;
	s6 =	simm.s32 @!p1 $0x1082;
	[sflag:s4] =	ssyncset.s32 $0xFFFFF086  }
0x25: {  	[simem:s6], [sflag:s4] =	dma.local [hbm:s3], $0xF7A  }
0x26: {  	[smem:$0x3F99] =	sst s1;
	(tag) =	ssettag s2;
	_ =	strace s9  }
0x27: {  	s1 =	sld [smem:$0x3FA9]  }
0x28: {  	s2 =	sld [smem:$0x3FAA]  }
0x29: {  	s4 =	sld [smem:$0x3FAC]  }
0x2a: {  	p0 =	seq.s32 s5, $0x0;
	s5 =	sld [smem:$0x3FAD]  }
0x2b: {  	s6 =	sld [smem:$0x3FAE]  }
0x2c: {  	s7 =	sld [smem:$0x3FAF]  }
0x2d: {  	s3 =	simm.s32 $0x108;
	s8 =	sld [smem:$0x3FB0]  }
0x2e: {  	s3 =	simm.s32 @!p0 $0x1082;
	s9 =	sld [smem:$0x3FB1]  }
0x2f: {  	lr =	sadd.s32 s0, s3;
	s0 =	sld [smem:$0x3FA8]  }
0x30: {  	s3 =	sld [smem:$0x3FAB]  }
0x31: {  	[smem:$0x3FB4] =	sst s10  }
0x32: {  	s10 =	sld [smem:$0x3FB2];
	_ =	sdelay $0x3  }
0x33: {  	p0 =	seq.s32 s10, $0x1;
	s10 =	sld [smem:$0x3FB4];
	_ =	sdelay $0x3  }
0x34: {  	[smem:$0x3FB4] =	sst s10  }
0x35: {  	s10 =	sld [smem:$0x3FB3];
	_ =	sdelay $0x3  }
0x36: {  	p1 =	seq.s32 s10, $0x1;
	s10 =	sld [smem:$0x3FB4];
	_ =	sdelay $0x3  }
0x37: {  	[smem:$0x3FB4] =	sst s10  }
0x38: {  	s10 =	sld [smem:$0x3FB5]  }
0x39: {  	_ = 	snop;
	(pc) =	sbr.ind lr, $3  }
0x3a: {  	_ = 	snop  }
0x3b: {  	_ = 	snop  }
0x3c: {  	p2 =	seq.s32 s10, $0x1;
	s10 =	sld [smem:$0x3FB4]  }
0x3d: {  	_ =	shalt  }
0x3e: {  	_ =	shalt  }
0x3f: {  	_ =	shalt  }
0x40: {  	_ =	shalt  }
0x41: {  	_ =	shalt  }
0x42: {  	_ =	shalt  }
0x43: {  	_ =	shalt  }
0x44: {  	_ =	shalt  }
0x45: {  	_ =	shalt  }
0x46: {  	_ =	shalt  }
0x47: {  	_ =	shalt  }
0x48: {  	_ =	shalt  }
0x49: {  	_ =	shalt  }
0x4a: {  	_ =	shalt  }
0x4b: {  	_ =	shalt  }
0x4c: {  	_ =	shalt  }
0x4d: {  	_ =	shalt  }
0x4e: {  	_ =	shalt  }
0x4f: {  	_ =	shalt  }
0x50: {  	_ =	shalt  }
0x51: {  	_ =	shalt  }
0x52: {  	_ =	shalt  }
0x53: {  	_ =	shalt  }
0x54: {  	_ =	shalt  }
0x55: {  	_ =	shalt  }
0x56: {  	_ =	shalt  }
0x57: {  	_ =	shalt  }
0x58: {  	_ =	shalt  }
0x59: {  	_ =	shalt  }
0x5a: {  	_ =	shalt  }
0x5b: {  	_ =	shalt  }
0x5c: {  	_ =	shalt  }
0x5d: {  	_ =	shalt  }
0x5e: {  	_ =	shalt  }
0x5f: {  	_ =	shalt  }
0x60: {  	_ =	shalt  }
0x61: {  	_ =	shalt  }
0x62: {  	_ =	shalt  }
0x63: {  	_ =	shalt  }
0x64: {  	_ =	shalt  }
0x65: {  	_ =	shalt  }
0x66: {  	_ =	shalt  }
0x67: {  	_ =	shalt  }
0x68: {  	_ =	shalt  }
0x69: {  	_ =	shalt  }
0x6a: {  	_ =	shalt  }
0x6b: {  	_ =	shalt  }
0x6c: {  	_ =	shalt  }
0x6d: {  	_ =	shalt  }
0x6e: {  	_ =	shalt  }
0x6f: {  	_ =	shalt  }
0x70: {  	_ =	shalt  }
0x71: {  	_ =	shalt  }
0x72: {  	_ =	shalt  }
0x73: {  	_ =	shalt  }
0x74: {  	_ =	shalt  }
0x75: {  	_ =	shalt  }
0x76: {  	_ =	shalt  }
0x77: {  	_ =	shalt  }
0x78: {  	_ =	shalt  }
0x79: {  	_ =	shalt  }
0x7a: {  	_ =	shalt  }
0x7b: {  	_ =	shalt  }
0x7c: {  	_ =	shalt  }
0x7d: {  	_ =	shalt  }
0x7e: {  	_ =	shalt  }
0x7f: {  	_ =	shalt  }
0x80: {  	_ =	shalt  }
0x81: {  	_ =	shalt  }
0x82: {  	_ =	shalt  }
0x83: {  	_ =	shalt  }
0x84: {  	_ =	shalt  }
0x85: {  	_ =	shalt  }
0x86: {  	_ =	shalt  }
0x87: {  	_ =	shalt  }
.Lfunc_end0:
.L_simem_size_0:
called_computation.3_lowered:
.L_overlay_start_0:
0x88: {  	s2 =	sld [smem:$0x3FD9]  }
0x89: {  	s3 =	sld [smem:$0x3FFE];
	_ =	sdelay $0x1  }
0x8a: {  	s1 =	srdreg.scid  }
0x8b: {  	s0 =	sand.u32 $0x1, s1  }
0x8c: {  	s16 =	sshll.u32 s0, $0xA;
	s2 =	sadd.s32 s3, s2  }
0x8d: {  	s2 =	sadd.s32 s2, s16  }
0x8e: {  	[smem:$0x3FC0] =	sst s2  }
0x8f: {  	_ = 	snop  }
0x90: {  	(tm) =	ssettm $0x1  }
0x91: {  	s17 =	sld [smem:$0x3FFB];
	_ =	sdelay $0x3  }
0x92: {  	_ =	strace s17  }
0x93: {  	s2 =	sld [smem:$0x3FFC];
	_ =	sdelay $0x3  }
0x94: {  	_ =	strace s2  }
0x95: {  	s2 =	sld [smem:$0x3FFD];
	_ =	sdelay $0x3  }
0x96: {  	_ =	strace s2  }
0x97: {  	_ =	strace $0x8FFFFFFF  }
0x98: {  	s18 =	sld [smem:$0x3FDB];
	_ =	sdelay $0x1  }
0x99: {  	s19 =	simm.s32 $_scs_section_size  }
0x9a: {  	s4 =	simm.s32 $_size__tile_overlayer_lowered;
	s5 =	simm.s32 $_tile_overlayer_lowered  }
0x9b: {  	s22 =	simm.s32 $0x1BFF;
	s21 =	sshll.u32 s5, $0x1;
	s2 =	sadd.s32 s19, s18  }
0x9c: {  	s6 =	simm.s32 $0x0;
	s20 =	sshll.u32 s4, $0x1;
	s4 =	sadd.s32 s21, s2  }
0x9d: {  	[timem:s6], [sflag:s22] =	dma.local [hbm:s4], s20  }
0x9e: {  	_ =	swait.ge [sflag:s22], s20  }
0x9f: {  	s3 =	ssub.s32 $0x0, s20;
	[sflag:s22] =	ssyncset.done $0x0  }
0xa0: {  	[sflag:s22] =	ssyncadd.s32 s3;
	_ =	sdelay $0x1  }
0xa1: {  	s23 =	simm.s32 $0x1B8B  }
0xa2: {  	_ =	swait.ge [sflag:s23], $0x1  }
0xa3: {  	[sflag:s23] =	ssyncset.done $0x0  }
0xa4: {  	s25 =	simm.s32 $0x1B8E;
	s24 =	sld [smem:$0x3FFE];
	[sflag:s23] =	ssyncadd.s32 $0xFFFFFFFF  }
0xa5: {  	s26 =	simm.s32 $execute0_lowered;
	[smem:$0x3FD2] =	sst s25  }
0xa6: {  	s4 =	sshll.u32 s26, $0x1;
	_ =	strace $0x8000004F;
	[dreg:$0x1] =	wrdreg $0xFFFFFFFF  }
0xa7: {  	s28 =	simm.s32 $_size_execute0_lowered;
	s2 =	sadd.s32 s2, s4;
	[dreg:$0x0] =	wrdreg $0x0  }
0xa8: {  	s4 =	sshll.u32 s28, $0x1;
	[dreg:$0x2] =	wrdreg s2  }
0xa9: {  	[dreg:$0x3] =	wrdreg s4  }
0xaa: {  	[dreg:$0x4] =	wrdreg $0xC0  }
0xab: {  	_ =	task [dreg:s6], $0x5FFFF  }
0xac: {  	[dreg:$0x1] =	wrdreg $0xFFFFFFFF  }
0xad: {  	[dreg:$0x0] =	wrdreg $0x60  }
0xae: {  	[dreg:$0x2] =	wrdreg s24  }
0xaf: {  	[dreg:$0x3] =	wrdreg $0x9  }
0xb0: {  	_ =	task.clear_ibuf [dreg:s6], $0x4FFFF;
	_ =	strace $0x9000004F  }
0xb1: {  	s29 =	simm.s32 $0x9;
	_ =	strace $0x80000051  }
0xb2: {  	_ =	swait.ge [sflag:s29], $0x1  }
0xb3: {  	[sflag:s29] =	ssyncadd.s32 $0xFFFFFFFF  }
0xb4: {  	_ =	strace $0x90000051  }
0xb5: {  	_ =	sfence  }
0xb6: {  	s30 =	sld [smem:$0x0];
	_ =	sdelay $0x2  }
0xb7: {  	s31 =	sshll.u32 s1, $0xD;
	s1 =	sshrl.u32 s1, $0x2  }
0xb8: {  	s3 =	sand.u32 $0x4000, s31;
	s1 =	sadd.s32 s1, s30  }
0xb9: {  	s0 =	sor.u32 s3, s0;
	s1 =	sshll.u32 s1, $0x11  }
0xba: {  	s0 =	sor.u32 s1, s0  }
0xbb: {  	s0 =	sadd.s32 $0x8F2B, s0  }
0xbc: {  	[sflag:s0] =	ssyncadd.remote.s32 $0x1  }
0xbd: {  	_ =	sfence.sel $0xFFFF  }
0xbe: {  	[dreg:$0x0] =	wrdreg $0xFFFFFFFF;
	(pc) =	sbr.abs _section_cstart, $3  }
0xbf: {  	[dreg:$0x1] =	wrdreg $0xFFFFFFFF  }
0xc0: {  	_ =	task.clear_ibuf [dreg:s6], $0x2FFFF;
	_ =	strace $0x9FFFFFFF  }
0xc1: {  	(tm) =	ssettm $0x7FFFFFFF  }
tec
execute0_lowered:
.L_overlay_start_1:
0x0: {  	(tag) =	ssettag $0x1  }
0x1: {  	s1 =	srdreg.scid  }
0x2: {  	s0 =	stileid.u32;
	s13 =	sand.u32 $0x1, s1  }
0x3: {  	s2 =	sshll.u32 s0, $0x2;
	s1 =	sshll.u32 s13, $0x6  }
0x4: {  	s9 =	rddreg [dreg:$0x0];
	s6 =	sor.u32 s2, s1  }
0x5: {  	s1 =	rddreg [dreg:$0x1];
	s2 =	simm.s32 $0x0;
	s3 =	sshll.u32 s6, $0x4  }
0x6: {  	[smem:$0x7FF] =	sst s2;
	s3 =	sadd.s32 s3, s9  }
0x7: {  	_ =	strace $0x80000050;
	s4 =	sadd.s32 $0x1B400, s3;
	s3 =	simm.s32 $0x2  }
0x8: {  	[tilespmem:s2], [sflag:$0x2] =	stream.linear.gather [hbm4b:s4+s2], $0x200, $0x38;
	[tilespmem:$0x1A00] =	vst v63  }
0x9: {  	s7 =	simm.s32 $0x200;
	_ =	swait.ge [sflag:s3], $0x200  }
0xa: {  	s8 =	simm.s32 $0x1;
	s5 =	sadd.s32 $0x2600, s9;
	[sflag:s3] =	ssyncset.done $0x0  }
0xb: {  	s10 =	smul.u32 $0x300, s6;
	s6 =	simm.s32 $0x80;
	[sflag:s3] =	ssyncadd.s32 $0xFFFFFE00  }
0xc: {  	[tilespmem:s7], [sflag:$0x1] =	stream.indirect.gather [hbm4b:s5+s6], $0x30, s2, s6, $0xb8;
	[tilespmem:$0x1A00] =	vst v63  }
0xd: {  	_ =	swait.ge [sflag:s8], $0x1800  }
0xe: {  	s14 =	sadd.s32 s10, s9;
	[sflag:s8] =	ssyncset.done $0x0  }
0xf: {  	s9 =	sadd.s32 $0x1BC00, s14;
	[sflag:s8] =	ssyncadd.s32 $0xFFFFE800  }
0x10: {  	[hbm4b:s9+s2] =	stream.linear.scatter [tilespmem:s7], [sflag:$0x2], $0x1800, $0x38;
	[tilespmem:$0x1A00] =	vst v63  }
0x11: {  	_ =	swait.ge [sflag:s3], $0x1800  }
0x12: {  	[sflag:s3] =	ssyncset.done $0x0  }
0x13: {  	[sflag:s3] =	ssyncadd.s32 $0xFFFFE800  }
0x14: {  	[tilespmem:s7], [sflag:$0x1] =	stream.indirect.gather [hbm4b:s5+s6], $0x30, s6, s6, $0xb8;
	[tilespmem:$0x1A00] =	vst v63  }
0x15: {  	_ =	swait.ge [sflag:s8], $0x1800  }
0x16: {  	[sflag:s8] =	ssyncset.done $0x0  }
0x17: {  	s10 =	sadd.s32 $0x1BF00, s14;
	[sflag:s8] =	ssyncadd.s32 $0xFFFFE800  }
0x18: {  	[hbm4b:s10+s2] =	stream.linear.scatter [tilespmem:s7], [sflag:$0x2], $0x1800, $0x38;
	[tilespmem:$0x1A00] =	vst v63  }
0x19: {  	_ =	swait.ge [sflag:s3], $0x1800  }
0x1a: {  	[sflag:s3] =	ssyncset.done $0x0  }
0x1b: {  	s11 =	simm.s32 $0x100;
	[sflag:s3] =	ssyncadd.s32 $0xFFFFE800  }
0x1c: {  	[tilespmem:s7], [sflag:$0x1] =	stream.indirect.gather [hbm4b:s5+s6], $0x30, s11, s6, $0xb8;
	[tilespmem:$0x1A00] =	vst v63  }
0x1d: {  	_ =	swait.ge [sflag:s8], $0x1800  }
0x1e: {  	[sflag:s8] =	ssyncset.done $0x0  }
0x1f: {  	s15 =	ssub.s32 $0x2, s13;
	s12 =	sadd.s32 $0x1C200, s14;
	[sflag:s8] =	ssyncadd.s32 $0xFFFFE800  }
0x20: {  	[hbm4b:s12+s2] =	stream.linear.scatter [tilespmem:s7], [sflag:$0x2], $0x1800, $0x38;
	[tilespmem:$0x1A00] =	vst v63  }
0x21: {  	s16 =	sshrl.u32 s15, $0x1;
	_ =	swait.ge [sflag:s3], $0x1800  }
0x22: {  	s15 =	ssub.s32 s15, s16;
	[sflag:s3] =	ssyncset.done $0x0  }
0x23: {  	s13 =	simm.s32 $0x180;
	s15 =	smax.u32 s15, $0x1;
	[sflag:s3] =	ssyncadd.s32 $0xFFFFE800  }
0x24: {  	[tilespmem:s7], [sflag:$0x1] =	stream.indirect.gather [hbm4b:s5+s6], $0x30, s13, s6, $0xb8;
	[tilespmem:$0x1A00] =	vst v63  }
0x25: {  	p0 =	sne.s32 s15, $0x1;
	_ =	swait.ge [sflag:s8], $0x1800  }
.Ltmp0:
0x26: {  	[sflag:s8] =	ssyncset.done $0x0;
	(pc) =	sbr.rel @!p0 .LBB2_2-.Ltmp0, $4  }
0x27: {  	s14 =	sadd.s32 $0x1C500, s14;
	[sflag:s8] =	ssyncadd.s32 $0xFFFFE800  }
0x28: {  	[hbm4b:s14+s2] =	stream.linear.scatter [tilespmem:s7], [sflag:$0x2], $0x1800, $0x38;
	[tilespmem:$0x1A00] =	vst v63  }
0x29: {  	_ =	swait.ge [sflag:s3], $0x1800  }
0x2a: {  	s15 =	sadd.s32 $0xFFFFFFFF, s15;
	[sflag:s3] =	ssyncset.done $0x0  }
.LBB2_1:
0x2b: {  	p0 =	sne.s32 s15, $0x1;
	s15 =	sadd.s32 $0xFFFFFFFF, s15;
	[sflag:s3] =	ssyncadd.s32 $0xFFFFE800  }
0x2c: {  	[tilespmem:s2], [sflag:$0x2] =	stream.linear.gather [hbm4b:s4+s2], $0x200, $0x38;
	[tilespmem:$0x1A00] =	vst v63  }
0x2d: {  	_ =	swait.ge [sflag:s3], $0x200  }
0x2e: {  	[sflag:s3] =	ssyncset.done $0x0  }
0x2f: {  	[sflag:s3] =	ssyncadd.s32 $0xFFFFFE00  }
0x30: {  	[tilespmem:s7], [sflag:$0x1] =	stream.indirect.gather [hbm4b:s5+s6], $0x30, s2, s6, $0xb8;
	[tilespmem:$0x1A00] =	vst v63  }
0x31: {  	_ =	swait.ge [sflag:s8], $0x1800  }
0x32: {  	[sflag:s8] =	ssyncset.done $0x0  }
0x33: {  	[sflag:s8] =	ssyncadd.s32 $0xFFFFE800  }
0x34: {  	[hbm4b:s9+s2] =	stream.linear.scatter [tilespmem:s7], [sflag:$0x2], $0x1800, $0x38;
	[tilespmem:$0x1A00] =	vst v63  }
0x35: {  	_ =	swait.ge [sflag:s3], $0x1800  }
0x36: {  	[sflag:s3] =	ssyncset.done $0x0  }
0x37: {  	[sflag:s3] =	ssyncadd.s32 $0xFFFFE800  }
0x38: {  	[tilespmem:s7], [sflag:$0x1] =	stream.indirect.gather [hbm4b:s5+s6], $0x30, s6, s6, $0xb8;
	[tilespmem:$0x1A00] =	vst v63  }
0x39: {  	_ =	swait.ge [sflag:s8], $0x1800  }
0x3a: {  	[sflag:s8] =	ssyncset.done $0x0  }
0x3b: {  	[sflag:s8] =	ssyncadd.s32 $0xFFFFE800  }
0x3c: {  	[hbm4b:s10+s2] =	stream.linear.scatter [tilespmem:s7], [sflag:$0x2], $0x1800, $0x38;
	[tilespmem:$0x1A00] =	vst v63  }
0x3d: {  	_ =	swait.ge [sflag:s3], $0x1800  }
0x3e: {  	[sflag:s3] =	ssyncset.done $0x0  }
0x3f: {  	[sflag:s3] =	ssyncadd.s32 $0xFFFFE800  }
0x40: {  	[tilespmem:s7], [sflag:$0x1] =	stream.indirect.gather [hbm4b:s5+s6], $0x30, s11, s6, $0xb8;
	[tilespmem:$0x1A00] =	vst v63  }
0x41: {  	_ =	swait.ge [sflag:s8], $0x1800  }
0x42: {  	[sflag:s8] =	ssyncset.done $0x0  }
0x43: {  	[sflag:s8] =	ssyncadd.s32 $0xFFFFE800  }
0x44: {  	[hbm4b:s12+s2] =	stream.linear.scatter [tilespmem:s7], [sflag:$0x2], $0x1800, $0x38;
	[tilespmem:$0x1A00] =	vst v63  }
0x45: {  	_ =	swait.ge [sflag:s3], $0x1800  }
0x46: {  	[sflag:s3] =	ssyncset.done $0x0  }
0x47: {  	[sflag:s3] =	ssyncadd.s32 $0xFFFFE800  }
0x48: {  	[tilespmem:s7], [sflag:$0x1] =	stream.indirect.gather [hbm4b:s5+s6], $0x30, s13, s6, $0xb8;
	[tilespmem:$0x1A00] =	vst v63  }
0x49: {  	_ =	swait.ge [sflag:s8], $0x1800  }
.Ltmp1:
0x4a: {  	[sflag:s8] =	ssyncset.done $0x0;
	(pc) =	sbr.rel @p0 .LBB2_1-.Ltmp1, $4  }
0x4b: {  	[sflag:s8] =	ssyncadd.s32 $0xFFFFE800  }
0x4c: {  	[hbm4b:s14+s2] =	stream.linear.scatter [tilespmem:s7], [sflag:$0x2], $0x1800, $0x38;
	[tilespmem:$0x1A00] =	vst v63  }
0x4d: {  	_ =	swait.ge [sflag:s3], $0x1800  }
0x4e: {  	[sflag:s3] =	ssyncset.done $0x0  }
.LBB2_2:
0x4f: {  	[sflag:s3] =	ssyncadd.s32 $0xFFFFE800  }
0x50: {  	_ =	sfence.sel $0x180000  }
0x51: {  	[bflag:$0x0] =	sbarrier.arrive $0xFFFF  }
0x52: {  	p0 =	sne.s32 s0, $0x0;
	_ =	strace $0x90000050  }
0x53: {  	s0 =	sadd.s32 @!p0 $0x100000, s1;
	[bflag:$0x2] =	sbarrier.arrive $0xFFFF  }
0x54: {  	[sflag:s0] =	ssyncadd.tile.s32 @!p0 $0x1;
	_ =	shalt  }
.Lfunc_end2:
_tile_overlayer_lowered:
.L_overlay_start_2:
0x55: {  	(tag) =	ssettag $0x2  }
0x56: {  	s0 =	rddreg [dreg:$0x0];
	s2 =	stileid.u32  }
0x57: {  	s1 =	rddreg [dreg:$0x1];
	p0 =	sne.s32 s2, $0x0  }
0x58: {  	s3 =	rddreg [dreg:$0x2];
	[bflag:$0x3] =	sbarrier.arrive $0xFFFF;
	s2 =	simm.s32 @!p0 $0x1C02  }
0x59: {  	[timem:s3], [sflag:s2] =	dma.local @!p0 [hbm:s0], s1  }
0x5a: {  	s0 =	simm.s32 @!p0 $0x2  }
0x5b: {  	_ =	swait.ge @!p0 [sflag:s0], s1  }
0x5c: {  	s1 =	ssub.s32 @!p0 $0x0, s1;
	[sflag:s0] =	ssyncset.done @!p0 $0x0  }
0x5d: {  	[sflag:s0] =	ssyncadd.s32 @!p0 s1  }
0x5e: {  	[bflag:$0x3] =	sbarrier.arrive $0xFFFF  }
0x5f: {  	_ =	shalt  }

</sc_bundles>
